<compile_context>
chip_gen: v7x
topology: tpu7x:2x2x1
jax: 0.10.2.dev20260603
libtpu: 0.0.44.dev20260713+nightly
codegen_flags: <defaults>
</compile_context>

<pallas_src>
import functools

import jax
import jax.numpy as jnp
from jax import lax
from jax.experimental import pallas as pl
from jax.experimental.pallas import tpu as pltpu
from jax.experimental.pallas import tpu_sc as plsc

B = 4096
L = 200
E = 64
AA_V = 22
POS_V = 210
NC = 2
NS = 16
NW = NC * NS
RPW = B // NW
NBUF = 4


def _embed_body(seqs_hbm, lens_hbm, aa_hbm, pos_hbm, out_hbm,
                aa_v, pos_v, seq_v, len_v, out_v, sem):
    c = lax.axis_index("c")
    s = lax.axis_index("s")
    wid = s * NC + c
    base = wid * RPW

    pltpu.sync_copy(aa_hbm, aa_v)
    pltpu.sync_copy(pos_hbm, pos_v)
    pltpu.sync_copy(seqs_hbm.at[pl.ds(base * L, RPW * L)], seq_v)
    pltpu.sync_copy(lens_hbm.at[pl.ds(base, RPW)], len_v.at[pl.ds(0, RPW)])

    iota = lax.iota(jnp.int32, 16)
    cols = [iota + 16 * k for k in range(4)]

    def row_body(r, carry):
        row = base + r
        slot = lax.rem(r, NBUF)
        ln = len_v[pl.ds(r, 16)][0]
        t0 = r * L

        @pl.when(r >= NBUF)
        def _():
            pltpu.make_async_copy(out_v.at[slot, pl.ds(0, L * E // 128)],
                                  out_hbm.at[row], sem).wait()

        def aa_pos(t, j, colbase):
            s_b = plsc.load_gather(seq_v, [jnp.full((16,), t0 + j, jnp.int32)])
            s64 = s_b << 6
            p0 = (j + 1) << 6
            for k in range(4):
                a = plsc.load_gather(aa_v, [s64 + cols[k]])
                p = pos_v[pl.ds(p0 + 16 * k, 16)]
                out_v[slot, t, pl.ds(colbase + 16 * k, 16)] = a + p

        def aa_only(t, j, colbase):
            s_b = plsc.load_gather(seq_v, [jnp.full((16,), t0 + j, jnp.int32)])
            s64 = s_b << 6
            for k in range(4):
                out_v[slot, t, pl.ds(colbase + 16 * k, 16)] = (
                    plsc.load_gather(aa_v, [s64 + cols[k]]))

        half1 = ln >> 1

        @plsc.parallel_loop(0, half1, 1, unroll=2)
        def pair_body(t):
            j = t * 2
            aa_pos(t, j, 0)
            aa_pos(t, j + 1, 64)

        @pl.when((ln & 1) == 1)
        def _():
            aa_pos(half1, ln - 1, 0)
            aa_only(half1, ln, 64)

        @plsc.parallel_loop((ln + 1) >> 1, L // 2, 1, unroll=2)
        def pair_body2(t):
            j = t * 2
            aa_only(t, j, 0)
            aa_only(t, j + 1, 64)
        pltpu.async_copy(out_v.at[slot, pl.ds(0, L * E // 128)],
                         out_hbm.at[row], sem)
        return carry

    lax.fori_loop(0, RPW, row_body, 0)
    for _ in range(NBUF):
        pltpu.make_async_copy(out_v.at[0, pl.ds(0, L * E // 128)],
                              out_hbm.at[base], sem).wait()


@functools.partial(
    pl.kernel,
    out_type=jax.ShapeDtypeStruct((B, L * E // 128, 128), jnp.float32),
    mesh=plsc.VectorSubcoreMesh(core_axis_name="c", subcore_axis_name="s"),
    scratch_types=[
        pltpu.VMEM((AA_V * E,), jnp.float32),
        pltpu.VMEM((POS_V * E,), jnp.float32),
        pltpu.VMEM((RPW * L,), jnp.int32),
        pltpu.VMEM((RPW + 16,), jnp.int32),
        pltpu.VMEM((NBUF, 104, 128), jnp.float32),
        pltpu.SemaphoreType.DMA,
    ],
    compiler_params=pltpu.CompilerParams(
        needs_layout_passes=False, disable_bounds_checks=True),
)
def _embed(seqs_hbm, lens_hbm, aa_hbm, pos_hbm, out_hbm,
           aa_v, pos_v, seq_v, len_v, out_v, sem):
    _embed_body(seqs_hbm, lens_hbm, aa_hbm, pos_hbm, out_hbm,
                aa_v, pos_v, seq_v, len_v, out_v, sem)


def kernel(seqs, lens, aa_table, pos_table):
    out = _embed(seqs.reshape(B * L), lens,
                 aa_table.reshape(AA_V * E), pos_table.reshape(POS_V * E))
    return out.reshape(B, L, E)

# --- scband reference (transcript-rebuilt; emitter-appended) ---
"""Pipeline reference for scband-embedder-11699490915098 (READ-ONLY COPY).

The authoritative reference and input builder live on the scoring server;
editing this copy changes nothing except your own understanding.
"""

import jax, jax.numpy as jnp
import numpy as np

B = 4096
L = 200
EMB_DIM = 64
AA_VOCAB = 22
MAX_LEN = 200
POS_VOCAB = MAX_LEN + 10


def setup_inputs(seed: int = 0) -> dict:
    key = jax.random.key(seed)
    k1, k2, k3, k4 = jax.random.split(key, 4)
    seqs = jax.random.randint(k1, (B, L), 0, AA_VOCAB, dtype=jnp.int32)
    lens = jax.random.randint(k2, (B,), 0, MAX_LEN, dtype=jnp.int32)
    aa_table = jax.random.normal(k3, (AA_VOCAB, EMB_DIM), dtype=jnp.float32)
    pos_table = jax.random.normal(k4, (POS_VOCAB, EMB_DIM), dtype=jnp.float32)
    # padding_idx=0 rows are initialized to zero in torch nn.Embedding
    aa_table = aa_table.at[0].set(0.0)
    pos_table = pos_table.at[0].set(0.0)
    return {"seqs": seqs, "lens": lens, "aa_table": aa_table, "pos_table": pos_table}


def reference(seqs, lens, aa_table, pos_table):
    bsz, maxlen = seqs.shape
    pos = jnp.arange(maxlen, dtype=jnp.int32) + 1
    pos = jnp.broadcast_to(pos[None, :], (bsz, maxlen))
    # positions beyond each sequence length are mapped to padding index 0
    pos = jnp.where(pos > lens[:, None], 0, pos)
    aa_emb = jnp.take(aa_table, seqs, axis=0)
    pos_emb = jnp.take(pos_table, pos, axis=0)
    return aa_emb + pos_emb

if __name__ == "__main__":
    import jax
    _d = setup_inputs()
    print(jax.jit(kernel)(*tuple(_d.values())))

</pallas_src>

<mosaic_0001>
#map = affine_map<(d0, d1) -> (0)>
#map1 = affine_map<(d0, d1) -> (0, 0, 0)>
module attributes {stable_mosaic.version = 14 : i64} {
  func.func @_embed(%arg0: i32, %arg1: i32, %arg2: memref<819200xi32, #tpu.memory_space<hbm>>, %arg3: memref<4096xi32, #tpu.memory_space<hbm>>, %arg4: memref<1408xf32, #tpu.memory_space<hbm>>, %arg5: memref<13440xf32, #tpu.memory_space<hbm>>, %arg6: memref<4096x100x128xf32, #tpu.memory_space<hbm>>, %arg7: memref<1408xf32, #tpu.memory_space<vmem>>, %arg8: memref<13440xf32, #tpu.memory_space<vmem>>, %arg9: memref<25600xi32, #tpu.memory_space<vmem>>, %arg10: memref<144xi32, #tpu.memory_space<vmem>>, %arg11: memref<4x104x128xf32, #tpu.memory_space<vmem>>, %arg12: memref<!tpu.dma_semaphore, #tpu.memory_space<semaphore_mem>>) attributes {dimension_semantics = [#tpu.dimension_semantics<core_parallel>, #tpu.dimension_semantics<subcore_parallel>], iteration_bounds = array<i64: 2, 16>, scalar_prefetch = 0 : i64, scratch_operands = 6 : i64, tpu.core_type = #tpu.core_type<sc_vector_subcore>, window_params = [{transform_indices = #map}, {transform_indices = #map}, {transform_indices = #map}, {transform_indices = #map}, {transform_indices = #map1}]} {
    %mul3A = arith.constant 2 : i32
    %mul3A_0 = arith.muli %arg1, %mul3A : i32
    %add3A = arith.addi %mul3A_0, %arg0 : i32
    %mul3A_1 = arith.constant 128 : i32
    %mul3A_2 = arith.muli %add3A, %mul3A_1 : i32
    "tpu.region"() ({
      %run_scoped3A = tpu.sem_alloc : memref<!tpu.dma_semaphore, #tpu.memory_space<semaphore_mem>>
      tpu.enqueue_dma source(%arg4 : memref<1408xf32, #tpu.memory_space<hbm>>) target(%arg7 : memref<1408xf32, #tpu.memory_space<vmem>>) target_semaphore(%run_scoped3A : memref<!tpu.dma_semaphore, #tpu.memory_space<semaphore_mem>>)
      tpu.wait_dma2 semaphore(%run_scoped3A : memref<!tpu.dma_semaphore, #tpu.memory_space<semaphore_mem>>) src(%arg4 : memref<1408xf32, #tpu.memory_space<hbm>>) dst(%arg7 : memref<1408xf32, #tpu.memory_space<vmem>>)
      tpu.yield
    }) : () -> ()
    "tpu.region"() ({
      %run_scoped3A = tpu.sem_alloc : memref<!tpu.dma_semaphore, #tpu.memory_space<semaphore_mem>>
      tpu.enqueue_dma source(%arg5 : memref<13440xf32, #tpu.memory_space<hbm>>) target(%arg8 : memref<13440xf32, #tpu.memory_space<vmem>>) target_semaphore(%run_scoped3A : memref<!tpu.dma_semaphore, #tpu.memory_space<semaphore_mem>>)
      tpu.wait_dma2 semaphore(%run_scoped3A : memref<!tpu.dma_semaphore, #tpu.memory_space<semaphore_mem>>) src(%arg5 : memref<13440xf32, #tpu.memory_space<hbm>>) dst(%arg8 : memref<13440xf32, #tpu.memory_space<vmem>>)
      tpu.yield
    }) : () -> ()
    %mul3A_3 = arith.constant 200 : i32
    %mul3A_4 = arith.muli %mul3A_2, %mul3A_3 : i32
    "tpu.region"() ({
      %run_scoped3A = tpu.sem_alloc : memref<!tpu.dma_semaphore, #tpu.memory_space<semaphore_mem>>
      %dma_start3A = tpu.memref_slice %arg2[%mul3A_4] : memref<819200xi32, #tpu.memory_space<hbm>> -> memref<25600xi32, #tpu.memory_space<hbm>>
      %dma_start3A_89 = tpu.memref_slice %arg2[%mul3A_4] : memref<819200xi32, #tpu.memory_space<hbm>> -> memref<25600xi32, #tpu.memory_space<hbm>>
      tpu.enqueue_dma source(%dma_start3A_89 : memref<25600xi32, #tpu.memory_space<hbm>>) target(%arg9 : memref<25600xi32, #tpu.memory_space<vmem>>) target_semaphore(%run_scoped3A : memref<!tpu.dma_semaphore, #tpu.memory_space<semaphore_mem>>)
      %dma_wait3A_90 = tpu.memref_slice %arg2[%mul3A_4] : memref<819200xi32, #tpu.memory_space<hbm>> -> memref<25600xi32, #tpu.memory_space<hbm>>
      %dma_wait3A_91 = tpu.memref_slice %arg2[%mul3A_4] : memref<819200xi32, #tpu.memory_space<hbm>> -> memref<25600xi32, #tpu.memory_space<hbm>>
      tpu.wait_dma2 semaphore(%run_scoped3A : memref<!tpu.dma_semaphore, #tpu.memory_space<semaphore_mem>>) src(%dma_wait3A_91 : memref<25600xi32, #tpu.memory_space<hbm>>) dst(%arg9 : memref<25600xi32, #tpu.memory_space<vmem>>)
      tpu.yield
    }) : () -> ()
    "tpu.region"() ({
      %run_scoped3A = tpu.sem_alloc : memref<!tpu.dma_semaphore, #tpu.memory_space<semaphore_mem>>
      %dma_start3A = arith.constant 0 : i32
      %dma_start3A_89 = tpu.memref_slice %arg10[%dma_start3A] : memref<144xi32, #tpu.memory_space<vmem>> -> memref<128xi32, #tpu.memory_space<vmem>>
      %dma_start3A_90 = tpu.memref_slice %arg3[%mul3A_2] : memref<4096xi32, #tpu.memory_space<hbm>> -> memref<128xi32, #tpu.memory_space<hbm>>
      %dma_start3A_91 = arith.constant 0 : i32
      %dma_start3A_92 = tpu.memref_slice %arg10[%dma_start3A_91] : memref<144xi32, #tpu.memory_space<vmem>> -> memref<128xi32, #tpu.memory_space<vmem>>
      %dma_start3A_93 = tpu.memref_slice %arg3[%mul3A_2] : memref<4096xi32, #tpu.memory_space<hbm>> -> memref<128xi32, #tpu.memory_space<hbm>>
      tpu.enqueue_dma source(%dma_start3A_93 : memref<128xi32, #tpu.memory_space<hbm>>) target(%dma_start3A_92 : memref<128xi32, #tpu.memory_space<vmem>>) target_semaphore(%run_scoped3A : memref<!tpu.dma_semaphore, #tpu.memory_space<semaphore_mem>>)
      %dma_wait3A_94 = arith.constant 0 : i32
      %dma_wait3A_95 = tpu.memref_slice %arg10[%dma_wait3A_94] : memref<144xi32, #tpu.memory_space<vmem>> -> memref<128xi32, #tpu.memory_space<vmem>>
      %dma_wait3A_96 = tpu.memref_slice %arg3[%mul3A_2] : memref<4096xi32, #tpu.memory_space<hbm>> -> memref<128xi32, #tpu.memory_space<hbm>>
      %dma_wait3A_97 = arith.constant 0 : i32
      %dma_wait3A_98 = tpu.memref_slice %arg10[%dma_wait3A_97] : memref<144xi32, #tpu.memory_space<vmem>> -> memref<128xi32, #tpu.memory_space<vmem>>
      %dma_wait3A_99 = tpu.memref_slice %arg3[%mul3A_2] : memref<4096xi32, #tpu.memory_space<hbm>> -> memref<128xi32, #tpu.memory_space<hbm>>
      tpu.wait_dma2 semaphore(%run_scoped3A : memref<!tpu.dma_semaphore, #tpu.memory_space<semaphore_mem>>) src(%dma_wait3A_99 : memref<128xi32, #tpu.memory_space<hbm>>) dst(%dma_wait3A_98 : memref<128xi32, #tpu.memory_space<vmem>>)
      tpu.yield
    }) : () -> ()
    %iota3A = tpu.iota {dimensions = array<i32: 0>} : vector<16xi32>
    %add3A_5 = arith.constant 0 : i32
    %add3A_6 = vector.broadcast %add3A_5 : i32 to vector<16xi32>
    %add3A_7 = arith.addi %iota3A, %add3A_6 : vector<16xi32>
    %add3A_8 = arith.constant 16 : i32
    %add3A_9 = vector.broadcast %add3A_8 : i32 to vector<16xi32>
    %add3A_10 = arith.addi %iota3A, %add3A_9 : vector<16xi32>
    %add3A_11 = arith.constant 32 : i32
    %add3A_12 = vector.broadcast %add3A_11 : i32 to vector<16xi32>
    %add3A_13 = arith.addi %iota3A, %add3A_12 : vector<16xi32>
    %add3A_14 = arith.constant 48 : i32
    %add3A_15 = vector.broadcast %add3A_14 : i32 to vector<16xi32>
    %add3A_16 = arith.addi %iota3A, %add3A_15 : vector<16xi32>
    %scan3A = arith.constant 0 : i32
    %scan3A_17 = arith.constant 0 : i32
    %scan3A_18 = arith.constant 128 : i32
    %scan3A_19 = arith.addi %scan3A_17, %scan3A_18 : i32
    %scan3A_20 = arith.constant 1 : i32
    scf.for %scan3A_89 = %scan3A_17 to %scan3A_19 step %scan3A_20  : i32 {
      %add3A_90 = arith.addi %mul3A_2, %scan3A_89 : i32
      %rem3A = arith.constant 4 : i32
      %rem3A_91 = arith.remsi %scan3A_89, %rem3A : i32
      %get3A = arith.index_cast %scan3A_89 : i32 to index
      %get3A_92 = tpu.vector_load %arg10[%get3A] {strides = array<i32>} : memref<144xi32, #tpu.memory_space<vmem>>, vector<16xi32>,
      %slice3A = vector.extract_strided_slice %get3A_92 {offsets = [0], sizes = [1], strides = [1]} : vector<16xi32> to vector<1xi32>
      %squeeze3A = vector.extract %slice3A[0] : i32 from vector<1xi32>
      %mul3A_93 = arith.constant 200 : i32
      %mul3A_94 = arith.muli %scan3A_89, %mul3A_93 : i32
      %ge3A = arith.constant 4 : i32
      %ge3A_95 = arith.cmpi sge, %scan3A_89, %ge3A : i32
      %convert_element_type3A = arith.extui %ge3A_95 : i1 to i32
      %cond3A = arith.constant 0 : i32
      %cond3A_96 = arith.cmpi ne, %convert_element_type3A, %cond3A : i32
      scf.if %cond3A_96 {
        %dma_wait3A_125 = arith.constant 0 : i32
        %dma_wait3A_126 = arith.constant 0 : i32
        %dma_wait3A_127 = tpu.memref_slice %arg11[%rem3A_91, %dma_wait3A_125, %dma_wait3A_126] : memref<4x104x128xf32, #tpu.memory_space<vmem>> -> memref<1x100x128xf32, #tpu.memory_space<vmem>>
        %dma_wait3A_128 = tpu.memref_squeeze %dma_wait3A_127 : memref<1x100x128xf32, #tpu.memory_space<vmem>> -> memref<100x128xf32, #tpu.memory_space<vmem>>
        %dma_wait3A_129 = arith.constant 0 : i32
        %dma_wait3A_130 = arith.constant 0 : i32
        %dma_wait3A_131 = tpu.memref_slice %arg6[%add3A_90, %dma_wait3A_129, %dma_wait3A_130] : memref<4096x100x128xf32, #tpu.memory_space<hbm>> -> memref<1x100x128xf32, #tpu.memory_space<hbm>>
        %dma_wait3A_132 = tpu.memref_squeeze %dma_wait3A_131 : memref<1x100x128xf32, #tpu.memory_space<hbm>> -> memref<100x128xf32, #tpu.memory_space<hbm>>
        %dma_wait3A_133 = arith.constant 0 : i32
        %dma_wait3A_134 = arith.constant 0 : i32
        %dma_wait3A_135 = tpu.memref_slice %arg6[%add3A_90, %dma_wait3A_133, %dma_wait3A_134] : memref<4096x100x128xf32, #tpu.memory_space<hbm>> -> memref<1x100x128xf32, #tpu.memory_space<hbm>>
        %dma_wait3A_136 = tpu.memref_squeeze %dma_wait3A_135 : memref<1x100x128xf32, #tpu.memory_space<hbm>> -> memref<100x128xf32, #tpu.memory_space<hbm>>
        %dma_wait3A_137 = arith.constant 0 : i32
        %dma_wait3A_138 = arith.constant 0 : i32
        %dma_wait3A_139 = tpu.memref_slice %arg11[%rem3A_91, %dma_wait3A_137, %dma_wait3A_138] : memref<4x104x128xf32, #tpu.memory_space<vmem>> -> memref<1x100x128xf32, #tpu.memory_space<vmem>>
        %dma_wait3A_140 = tpu.memref_squeeze %dma_wait3A_139 : memref<1x100x128xf32, #tpu.memory_space<vmem>> -> memref<100x128xf32, #tpu.memory_space<vmem>>
        tpu.wait_dma2 semaphore(%arg12 : memref<!tpu.dma_semaphore, #tpu.memory_space<semaphore_mem>>) src(%dma_wait3A_140 : memref<100x128xf32, #tpu.memory_space<vmem>>) dst(%dma_wait3A_136 : memref<100x128xf32, #tpu.memory_space<hbm>>)
      } else {
      }
      %shift_right_arithmetic3A = arith.constant 1 : i32
      %shift_right_arithmetic3A_97 = arith.shrsi %squeeze3A, %shift_right_arithmetic3A : i32
      %parallel_loop3A = arith.constant 0 : i32
      %parallel_loop3A_98 = arith.constant 1 : i32
      scf.for %parallel_loop3A_125 = %parallel_loop3A to %shift_right_arithmetic3A_97 step %parallel_loop3A_98  : i32 {
        %parallel_loop3A_126 = arith.constant 2 : i32
        %parallel_loop3A_127 = arith.muli %parallel_loop3A_125, %parallel_loop3A_126 : i32
        %parallel_loop3A_128 = arith.addi %mul3A_94, %parallel_loop3A_127 : i32
        %parallel_loop3A_129 = vector.broadcast %parallel_loop3A_128 : i32 to vector<16xi32>
        %parallel_loop3A_130 = tpu.vector_load_idx %arg9[%parallel_loop3A_129] : memref<25600xi32, #tpu.memory_space<vmem>>[vector<16xi32>], vector<16xi32>,
        %parallel_loop3A_131 = arith.constant 6 : i32
        %parallel_loop3A_132 = vector.broadcast %parallel_loop3A_131 : i32 to vector<16xi32>
        %parallel_loop3A_133 = arith.shli %parallel_loop3A_130, %parallel_loop3A_132 : vector<16xi32>
        %parallel_loop3A_134 = arith.constant 1 : i32
        %parallel_loop3A_135 = arith.addi %parallel_loop3A_127, %parallel_loop3A_134 : i32
        %parallel_loop3A_136 = arith.constant 6 : i32
        %parallel_loop3A_137 = arith.shli %parallel_loop3A_135, %parallel_loop3A_136 : i32
        %parallel_loop3A_138 = arith.addi %parallel_loop3A_133, %add3A_7 : vector<16xi32>
        %parallel_loop3A_139 = tpu.vector_load_idx %arg7[%parallel_loop3A_138] : memref<1408xf32, #tpu.memory_space<vmem>>[vector<16xi32>], vector<16xf32>,
        %parallel_loop3A_140 = arith.constant 0 : i32
        %parallel_loop3A_141 = arith.addi %parallel_loop3A_137, %parallel_loop3A_140 : i32
        %parallel_loop3A_142 = arith.index_cast %parallel_loop3A_141 : i32 to index
        %parallel_loop3A_143 = tpu.vector_load %arg8[%parallel_loop3A_142] {strides = array<i32>} : memref<13440xf32, #tpu.memory_space<vmem>>, vector<16xf32>,
        %parallel_loop3A_144 = arith.addf %parallel_loop3A_139, %parallel_loop3A_143 : vector<16xf32>
        %parallel_loop3A_145 = arith.index_cast %rem3A_91 : i32 to index
        %parallel_loop3A_146 = arith.index_cast %parallel_loop3A_125 : i32 to index
        %parallel_loop3A_147 = arith.constant 0 : index
        %parallel_loop3A_148 = tpu.vector_load %arg11[%parallel_loop3A_145, %parallel_loop3A_146, %parallel_loop3A_147] {strides = array<i32>} : memref<4x104x128xf32, #tpu.memory_space<vmem>>, vector<16xf32>,
        tpu.vector_store %arg11[%parallel_loop3A_145, %parallel_loop3A_146, %parallel_loop3A_147], %parallel_loop3A_144 {strides = array<i32>} : memref<4x104x128xf32, #tpu.memory_space<vmem>>, vector<16xf32>,
        %parallel_loop3A_149 = arith.addi %parallel_loop3A_133, %add3A_10 : vector<16xi32>
        %parallel_loop3A_150 = tpu.vector_load_idx %arg7[%parallel_loop3A_149] : memref<1408xf32, #tpu.memory_space<vmem>>[vector<16xi32>], vector<16xf32>,
        %parallel_loop3A_151 = arith.constant 16 : i32
        %parallel_loop3A_152 = arith.addi %parallel_loop3A_137, %parallel_loop3A_151 : i32
        %parallel_loop3A_153 = arith.index_cast %parallel_loop3A_152 : i32 to index
        %parallel_loop3A_154 = tpu.vector_load %arg8[%parallel_loop3A_153] {strides = array<i32>} : memref<13440xf32, #tpu.memory_space<vmem>>, vector<16xf32>,
        %parallel_loop3A_155 = arith.addf %parallel_loop3A_150, %parallel_loop3A_154 : vector<16xf32>
        %parallel_loop3A_156 = arith.index_cast %rem3A_91 : i32 to index
        %parallel_loop3A_157 = arith.index_cast %parallel_loop3A_125 : i32 to index
        %parallel_loop3A_158 = arith.constant 16 : index
        %parallel_loop3A_159 = tpu.vector_load %arg11[%parallel_loop3A_156, %parallel_loop3A_157, %parallel_loop3A_158] {strides = array<i32>} : memref<4x104x128xf32, #tpu.memory_space<vmem>>, vector<16xf32>,
        tpu.vector_store %arg11[%parallel_loop3A_156, %parallel_loop3A_157, %parallel_loop3A_158], %parallel_loop3A_155 {strides = array<i32>} : memref<4x104x128xf32, #tpu.memory_space<vmem>>, vector<16xf32>,
        %parallel_loop3A_160 = arith.addi %parallel_loop3A_133, %add3A_13 : vector<16xi32>
        %parallel_loop3A_161 = tpu.vector_load_idx %arg7[%parallel_loop3A_160] : memref<1408xf32, #tpu.memory_space<vmem>>[vector<16xi32>], vector<16xf32>,
        %parallel_loop3A_162 = arith.constant 32 : i32
        %parallel_loop3A_163 = arith.addi %parallel_loop3A_137, %parallel_loop3A_162 : i32
        %parallel_loop3A_164 = arith.index_cast %parallel_loop3A_163 : i32 to index
        %parallel_loop3A_165 = tpu.vector_load %arg8[%parallel_loop3A_164] {strides = array<i32>} : memref<13440xf32, #tpu.memory_space<vmem>>, vector<16xf32>,
        %parallel_loop3A_166 = arith.addf %parallel_loop3A_161, %parallel_loop3A_165 : vector<16xf32>
        %parallel_loop3A_167 = arith.index_cast %rem3A_91 : i32 to index
        %parallel_loop3A_168 = arith.index_cast %parallel_loop3A_125 : i32 to index
        %parallel_loop3A_169 = arith.constant 32 : index
        %parallel_loop3A_170 = tpu.vector_load %arg11[%parallel_loop3A_167, %parallel_loop3A_168, %parallel_loop3A_169] {strides = array<i32>} : memref<4x104x128xf32, #tpu.memory_space<vmem>>, vector<16xf32>,
        tpu.vector_store %arg11[%parallel_loop3A_167, %parallel_loop3A_168, %parallel_loop3A_169], %parallel_loop3A_166 {strides = array<i32>} : memref<4x104x128xf32, #tpu.memory_space<vmem>>, vector<16xf32>,
        %parallel_loop3A_171 = arith.addi %parallel_loop3A_133, %add3A_16 : vector<16xi32>
        %parallel_loop3A_172 = tpu.vector_load_idx %arg7[%parallel_loop3A_171] : memref<1408xf32, #tpu.memory_space<vmem>>[vector<16xi32>], vector<16xf32>,
        %parallel_loop3A_173 = arith.constant 48 : i32
        %parallel_loop3A_174 = arith.addi %parallel_loop3A_137, %parallel_loop3A_173 : i32
        %parallel_loop3A_175 = arith.index_cast %parallel_loop3A_174 : i32 to index
        %parallel_loop3A_176 = tpu.vector_load %arg8[%parallel_loop3A_175] {strides = array<i32>} : memref<13440xf32, #tpu.memory_space<vmem>>, vector<16xf32>,
        %parallel_loop3A_177 = arith.addf %parallel_loop3A_172, %parallel_loop3A_176 : vector<16xf32>
        %parallel_loop3A_178 = arith.index_cast %rem3A_91 : i32 to index
        %parallel_loop3A_179 = arith.index_cast %parallel_loop3A_125 : i32 to index
        %parallel_loop3A_180 = arith.constant 48 : index
        %parallel_loop3A_181 = tpu.vector_load %arg11[%parallel_loop3A_178, %parallel_loop3A_179, %parallel_loop3A_180] {strides = array<i32>} : memref<4x104x128xf32, #tpu.memory_space<vmem>>, vector<16xf32>,
        tpu.vector_store %arg11[%parallel_loop3A_178, %parallel_loop3A_179, %parallel_loop3A_180], %parallel_loop3A_177 {strides = array<i32>} : memref<4x104x128xf32, #tpu.memory_space<vmem>>, vector<16xf32>,
        %parallel_loop3A_182 = arith.constant 1 : i32
        %parallel_loop3A_183 = arith.addi %parallel_loop3A_127, %parallel_loop3A_182 : i32
        %parallel_loop3A_184 = arith.addi %mul3A_94, %parallel_loop3A_183 : i32
        %parallel_loop3A_185 = vector.broadcast %parallel_loop3A_184 : i32 to vector<16xi32>
        %parallel_loop3A_186 = tpu.vector_load_idx %arg9[%parallel_loop3A_185] : memref<25600xi32, #tpu.memory_space<vmem>>[vector<16xi32>], vector<16xi32>,
        %parallel_loop3A_187 = arith.constant 6 : i32
        %parallel_loop3A_188 = vector.broadcast %parallel_loop3A_187 : i32 to vector<16xi32>
        %parallel_loop3A_189 = arith.shli %parallel_loop3A_186, %parallel_loop3A_188 : vector<16xi32>
        %parallel_loop3A_190 = arith.constant 1 : i32
        %parallel_loop3A_191 = arith.addi %parallel_loop3A_183, %parallel_loop3A_190 : i32
        %parallel_loop3A_192 = arith.constant 6 : i32
        %parallel_loop3A_193 = arith.shli %parallel_loop3A_191, %parallel_loop3A_192 : i32
        %parallel_loop3A_194 = arith.addi %parallel_loop3A_189, %add3A_7 : vector<16xi32>
        %parallel_loop3A_195 = tpu.vector_load_idx %arg7[%parallel_loop3A_194] : memref<1408xf32, #tpu.memory_space<vmem>>[vector<16xi32>], vector<16xf32>,
        %parallel_loop3A_196 = arith.constant 0 : i32
        %parallel_loop3A_197 = arith.addi %parallel_loop3A_193, %parallel_loop3A_196 : i32
        %parallel_loop3A_198 = arith.index_cast %parallel_loop3A_197 : i32 to index
        %parallel_loop3A_199 = tpu.vector_load %arg8[%parallel_loop3A_198] {strides = array<i32>} : memref<13440xf32, #tpu.memory_space<vmem>>, vector<16xf32>,
        %parallel_loop3A_200 = arith.addf %parallel_loop3A_195, %parallel_loop3A_199 : vector<16xf32>
        %parallel_loop3A_201 = arith.index_cast %rem3A_91 : i32 to index
        %parallel_loop3A_202 = arith.index_cast %parallel_loop3A_125 : i32 to index
        %parallel_loop3A_203 = arith.constant 64 : index
        %parallel_loop3A_204 = tpu.vector_load %arg11[%parallel_loop3A_201, %parallel_loop3A_202, %parallel_loop3A_203] {strides = array<i32>} : memref<4x104x128xf32, #tpu.memory_space<vmem>>, vector<16xf32>,
        tpu.vector_store %arg11[%parallel_loop3A_201, %parallel_loop3A_202, %parallel_loop3A_203], %parallel_loop3A_200 {strides = array<i32>} : memref<4x104x128xf32, #tpu.memory_space<vmem>>, vector<16xf32>,
        %parallel_loop3A_205 = arith.addi %parallel_loop3A_189, %add3A_10 : vector<16xi32>
        %parallel_loop3A_206 = tpu.vector_load_idx %arg7[%parallel_loop3A_205] : memref<1408xf32, #tpu.memory_space<vmem>>[vector<16xi32>], vector<16xf32>,
        %parallel_loop3A_207 = arith.constant 16 : i32
        %parallel_loop3A_208 = arith.addi %parallel_loop3A_193, %parallel_loop3A_207 : i32
        %parallel_loop3A_209 = arith.index_cast %parallel_loop3A_208 : i32 to index
        %parallel_loop3A_210 = tpu.vector_load %arg8[%parallel_loop3A_209] {strides = array<i32>} : memref<13440xf32, #tpu.memory_space<vmem>>, vector<16xf32>,
        %parallel_loop3A_211 = arith.addf %parallel_loop3A_206, %parallel_loop3A_210 : vector<16xf32>
        %parallel_loop3A_212 = arith.index_cast %rem3A_91 : i32 to index
        %parallel_loop3A_213 = arith.index_cast %parallel_loop3A_125 : i32 to index
        %parallel_loop3A_214 = arith.constant 80 : index
        %parallel_loop3A_215 = tpu.vector_load %arg11[%parallel_loop3A_212, %parallel_loop3A_213, %parallel_loop3A_214] {strides = array<i32>} : memref<4x104x128xf32, #tpu.memory_space<vmem>>, vector<16xf32>,
        tpu.vector_store %arg11[%parallel_loop3A_212, %parallel_loop3A_213, %parallel_loop3A_214], %parallel_loop3A_211 {strides = array<i32>} : memref<4x104x128xf32, #tpu.memory_space<vmem>>, vector<16xf32>,
        %parallel_loop3A_216 = arith.addi %parallel_loop3A_189, %add3A_13 : vector<16xi32>
        %parallel_loop3A_217 = tpu.vector_load_idx %arg7[%parallel_loop3A_216] : memref<1408xf32, #tpu.memory_space<vmem>>[vector<16xi32>], vector<16xf32>,
        %parallel_loop3A_218 = arith.constant 32 : i32
        %parallel_loop3A_219 = arith.addi %parallel_loop3A_193, %parallel_loop3A_218 : i32
        %parallel_loop3A_220 = arith.index_cast %parallel_loop3A_219 : i32 to index
        %parallel_loop3A_221 = tpu.vector_load %arg8[%parallel_loop3A_220] {strides = array<i32>} : memref<13440xf32, #tpu.memory_space<vmem>>, vector<16xf32>,
        %parallel_loop3A_222 = arith.addf %parallel_loop3A_217, %parallel_loop3A_221 : vector<16xf32>
        %parallel_loop3A_223 = arith.index_cast %rem3A_91 : i32 to index
        %parallel_loop3A_224 = arith.index_cast %parallel_loop3A_125 : i32 to index
        %parallel_loop3A_225 = arith.constant 96 : index
        %parallel_loop3A_226 = tpu.vector_load %arg11[%parallel_loop3A_223, %parallel_loop3A_224, %parallel_loop3A_225] {strides = array<i32>} : memref<4x104x128xf32, #tpu.memory_space<vmem>>, vector<16xf32>,
        tpu.vector_store %arg11[%parallel_loop3A_223, %parallel_loop3A_224, %parallel_loop3A_225], %parallel_loop3A_222 {strides = array<i32>} : memref<4x104x128xf32, #tpu.memory_space<vmem>>, vector<16xf32>,
        %parallel_loop3A_227 = arith.addi %parallel_loop3A_189, %add3A_16 : vector<16xi32>
        %parallel_loop3A_228 = tpu.vector_load_idx %arg7[%parallel_loop3A_227] : memref<1408xf32, #tpu.memory_space<vmem>>[vector<16xi32>], vector<16xf32>,
        %parallel_loop3A_229 = arith.constant 48 : i32
        %parallel_loop3A_230 = arith.addi %parallel_loop3A_193, %parallel_loop3A_229 : i32
        %parallel_loop3A_231 = arith.index_cast %parallel_loop3A_230 : i32 to index
        %parallel_loop3A_232 = tpu.vector_load %arg8[%parallel_loop3A_231] {strides = array<i32>} : memref<13440xf32, #tpu.memory_space<vmem>>, vector<16xf32>,
        %parallel_loop3A_233 = arith.addf %parallel_loop3A_228, %parallel_loop3A_232 : vector<16xf32>
        %parallel_loop3A_234 = arith.index_cast %rem3A_91 : i32 to index
        %parallel_loop3A_235 = arith.index_cast %parallel_loop3A_125 : i32 to index
        %parallel_loop3A_236 = arith.constant 112 : index
        %parallel_loop3A_237 = tpu.vector_load %arg11[%parallel_loop3A_234, %parallel_loop3A_235, %parallel_loop3A_236] {strides = array<i32>} : memref<4x104x128xf32, #tpu.memory_space<vmem>>, vector<16xf32>,
        tpu.vector_store %arg11[%parallel_loop3A_234, %parallel_loop3A_235, %parallel_loop3A_236], %parallel_loop3A_233 {strides = array<i32>} : memref<4x104x128xf32, #tpu.memory_space<vmem>>, vector<16xf32>,
      } {sc.loop_unroll_factor = 2 : i64, sc.parallel_access}
      %and3A = arith.constant 1 : i32
      %and3A_99 = arith.andi %squeeze3A, %and3A : i32
      %eq3A = arith.constant 1 : i32
      %eq3A_100 = arith.cmpi eq, %and3A_99, %eq3A : i32
      %convert_element_type3A_101 = arith.extui %eq3A_100 : i1 to i32
      %cond3A_102 = arith.constant 0 : i32
      %cond3A_103 = arith.cmpi ne, %convert_element_type3A_101, %cond3A_102 : i32
      scf.if %cond3A_103 {
        %sub3A = arith.constant 1 : i32
        %sub3A_125 = arith.subi %squeeze3A, %sub3A : i32
        %add3A_126 = arith.addi %mul3A_94, %sub3A_125 : i32
        %broadcast_in_dim3A = vector.broadcast %add3A_126 : i32 to vector<16xi32>
        %gather3A = tpu.vector_load_idx %arg9[%broadcast_in_dim3A] : memref<25600xi32, #tpu.memory_space<vmem>>[vector<16xi32>], vector<16xi32>,
        %shift_left3A = arith.constant 6 : i32
        %shift_left3A_127 = vector.broadcast %shift_left3A : i32 to vector<16xi32>
        %shift_left3A_128 = arith.shli %gather3A, %shift_left3A_127 : vector<16xi32>
        %add3A_129 = arith.constant 1 : i32
        %add3A_130 = arith.addi %sub3A_125, %add3A_129 : i32
        %shift_left3A_131 = arith.constant 6 : i32
        %shift_left3A_132 = arith.shli %add3A_130, %shift_left3A_131 : i32
        %add3A_133 = arith.addi %shift_left3A_128, %add3A_7 : vector<16xi32>
        %gather3A_134 = tpu.vector_load_idx %arg7[%add3A_133] : memref<1408xf32, #tpu.memory_space<vmem>>[vector<16xi32>], vector<16xf32>,
        %add3A_135 = arith.constant 0 : i32
        %add3A_136 = arith.addi %shift_left3A_132, %add3A_135 : i32
        %get3A_137 = arith.index_cast %add3A_136 : i32 to index
        %get3A_138 = tpu.vector_load %arg8[%get3A_137] {strides = array<i32>} : memref<13440xf32, #tpu.memory_space<vmem>>, vector<16xf32>,
        %add3A_139 = arith.addf %gather3A_134, %get3A_138 : vector<16xf32>
        %swap3A = arith.index_cast %rem3A_91 : i32 to index
        %swap3A_140 = arith.index_cast %shift_right_arithmetic3A_97 : i32 to index
        %swap3A_141 = arith.constant 0 : index
        %swap3A_142 = tpu.vector_load %arg11[%swap3A, %swap3A_140, %swap3A_141] {strides = array<i32>} : memref<4x104x128xf32, #tpu.memory_space<vmem>>, vector<16xf32>,
        tpu.vector_store %arg11[%swap3A, %swap3A_140, %swap3A_141], %add3A_139 {strides = array<i32>} : memref<4x104x128xf32, #tpu.memory_space<vmem>>, vector<16xf32>,
        %add3A_143 = arith.addi %shift_left3A_128, %add3A_10 : vector<16xi32>
        %gather3A_144 = tpu.vector_load_idx %arg7[%add3A_143] : memref<1408xf32, #tpu.memory_space<vmem>>[vector<16xi32>], vector<16xf32>,
        %add3A_145 = arith.constant 16 : i32
        %add3A_146 = arith.addi %shift_left3A_132, %add3A_145 : i32
        %get3A_147 = arith.index_cast %add3A_146 : i32 to index
        %get3A_148 = tpu.vector_load %arg8[%get3A_147] {strides = array<i32>} : memref<13440xf32, #tpu.memory_space<vmem>>, vector<16xf32>,
        %add3A_149 = arith.addf %gather3A_144, %get3A_148 : vector<16xf32>
        %swap3A_150 = arith.index_cast %rem3A_91 : i32 to index
        %swap3A_151 = arith.index_cast %shift_right_arithmetic3A_97 : i32 to index
        %swap3A_152 = arith.constant 16 : index
        %swap3A_153 = tpu.vector_load %arg11[%swap3A_150, %swap3A_151, %swap3A_152] {strides = array<i32>} : memref<4x104x128xf32, #tpu.memory_space<vmem>>, vector<16xf32>,
        tpu.vector_store %arg11[%swap3A_150, %swap3A_151, %swap3A_152], %add3A_149 {strides = array<i32>} : memref<4x104x128xf32, #tpu.memory_space<vmem>>, vector<16xf32>,
        %add3A_154 = arith.addi %shift_left3A_128, %add3A_13 : vector<16xi32>
        %gather3A_155 = tpu.vector_load_idx %arg7[%add3A_154] : memref<1408xf32, #tpu.memory_space<vmem>>[vector<16xi32>], vector<16xf32>,
        %add3A_156 = arith.constant 32 : i32
        %add3A_157 = arith.addi %shift_left3A_132, %add3A_156 : i32
        %get3A_158 = arith.index_cast %add3A_157 : i32 to index
        %get3A_159 = tpu.vector_load %arg8[%get3A_158] {strides = array<i32>} : memref<13440xf32, #tpu.memory_space<vmem>>, vector<16xf32>,
        %add3A_160 = arith.addf %gather3A_155, %get3A_159 : vector<16xf32>
        %swap3A_161 = arith.index_cast %rem3A_91 : i32 to index
        %swap3A_162 = arith.index_cast %shift_right_arithmetic3A_97 : i32 to index
        %swap3A_163 = arith.constant 32 : index
        %swap3A_164 = tpu.vector_load %arg11[%swap3A_161, %swap3A_162, %swap3A_163] {strides = array<i32>} : memref<4x104x128xf32, #tpu.memory_space<vmem>>, vector<16xf32>,
        tpu.vector_store %arg11[%swap3A_161, %swap3A_162, %swap3A_163], %add3A_160 {strides = array<i32>} : memref<4x104x128xf32, #tpu.memory_space<vmem>>, vector<16xf32>,
        %add3A_165 = arith.addi %shift_left3A_128, %add3A_16 : vector<16xi32>
        %gather3A_166 = tpu.vector_load_idx %arg7[%add3A_165] : memref<1408xf32, #tpu.memory_space<vmem>>[vector<16xi32>], vector<16xf32>,
        %add3A_167 = arith.constant 48 : i32
        %add3A_168 = arith.addi %shift_left3A_132, %add3A_167 : i32
        %get3A_169 = arith.index_cast %add3A_168 : i32 to index
        %get3A_170 = tpu.vector_load %arg8[%get3A_169] {strides = array<i32>} : memref<13440xf32, #tpu.memory_space<vmem>>, vector<16xf32>,
        %add3A_171 = arith.addf %gather3A_166, %get3A_170 : vector<16xf32>
        %swap3A_172 = arith.index_cast %rem3A_91 : i32 to index
        %swap3A_173 = arith.index_cast %shift_right_arithmetic3A_97 : i32 to index
        %swap3A_174 = arith.constant 48 : index
        %swap3A_175 = tpu.vector_load %arg11[%swap3A_172, %swap3A_173, %swap3A_174] {strides = array<i32>} : memref<4x104x128xf32, #tpu.memory_space<vmem>>, vector<16xf32>,
        tpu.vector_store %arg11[%swap3A_172, %swap3A_173, %swap3A_174], %add3A_171 {strides = array<i32>} : memref<4x104x128xf32, #tpu.memory_space<vmem>>, vector<16xf32>,
        %add3A_176 = arith.addi %mul3A_94, %squeeze3A : i32
        %broadcast_in_dim3A_177 = vector.broadcast %add3A_176 : i32 to vector<16xi32>
        %gather3A_178 = tpu.vector_load_idx %arg9[%broadcast_in_dim3A_177] : memref<25600xi32, #tpu.memory_space<vmem>>[vector<16xi32>], vector<16xi32>,
        %shift_left3A_179 = arith.constant 6 : i32
        %shift_left3A_180 = vector.broadcast %shift_left3A_179 : i32 to vector<16xi32>
        %shift_left3A_181 = arith.shli %gather3A_178, %shift_left3A_180 : vector<16xi32>
        %add3A_182 = arith.addi %shift_left3A_181, %add3A_7 : vector<16xi32>
        %gather3A_183 = tpu.vector_load_idx %arg7[%add3A_182] : memref<1408xf32, #tpu.memory_space<vmem>>[vector<16xi32>], vector<16xf32>,
        %swap3A_184 = arith.index_cast %rem3A_91 : i32 to index
        %swap3A_185 = arith.index_cast %shift_right_arithmetic3A_97 : i32 to index
        %swap3A_186 = arith.constant 64 : index
        %swap3A_187 = tpu.vector_load %arg11[%swap3A_184, %swap3A_185, %swap3A_186] {strides = array<i32>} : memref<4x104x128xf32, #tpu.memory_space<vmem>>, vector<16xf32>,
        tpu.vector_store %arg11[%swap3A_184, %swap3A_185, %swap3A_186], %gather3A_183 {strides = array<i32>} : memref<4x104x128xf32, #tpu.memory_space<vmem>>, vector<16xf32>,
        %add3A_188 = arith.addi %shift_left3A_181, %add3A_10 : vector<16xi32>
        %gather3A_189 = tpu.vector_load_idx %arg7[%add3A_188] : memref<1408xf32, #tpu.memory_space<vmem>>[vector<16xi32>], vector<16xf32>,
        %swap3A_190 = arith.index_cast %rem3A_91 : i32 to index
        %swap3A_191 = arith.index_cast %shift_right_arithmetic3A_97 : i32 to index
        %swap3A_192 = arith.constant 80 : index
        %swap3A_193 = tpu.vector_load %arg11[%swap3A_190, %swap3A_191, %swap3A_192] {strides = array<i32>} : memref<4x104x128xf32, #tpu.memory_space<vmem>>, vector<16xf32>,
        tpu.vector_store %arg11[%swap3A_190, %swap3A_191, %swap3A_192], %gather3A_189 {strides = array<i32>} : memref<4x104x128xf32, #tpu.memory_space<vmem>>, vector<16xf32>,
        %add3A_194 = arith.addi %shift_left3A_181, %add3A_13 : vector<16xi32>
        %gather3A_195 = tpu.vector_load_idx %arg7[%add3A_194] : memref<1408xf32, #tpu.memory_space<vmem>>[vector<16xi32>], vector<16xf32>,
        %swap3A_196 = arith.index_cast %rem3A_91 : i32 to index
        %swap3A_197 = arith.index_cast %shift_right_arithmetic3A_97 : i32 to index
        %swap3A_198 = arith.constant 96 : index
        %swap3A_199 = tpu.vector_load %arg11[%swap3A_196, %swap3A_197, %swap3A_198] {strides = array<i32>} : memref<4x104x128xf32, #tpu.memory_space<vmem>>, vector<16xf32>,
        tpu.vector_store %arg11[%swap3A_196, %swap3A_197, %swap3A_198], %gather3A_195 {strides = array<i32>} : memref<4x104x128xf32, #tpu.memory_space<vmem>>, vector<16xf32>,
        %add3A_200 = arith.addi %shift_left3A_181, %add3A_16 : vector<16xi32>
        %gather3A_201 = tpu.vector_load_idx %arg7[%add3A_200] : memref<1408xf32, #tpu.memory_space<vmem>>[vector<16xi32>], vector<16xf32>,
        %swap3A_202 = arith.index_cast %rem3A_91 : i32 to index
        %swap3A_203 = arith.index_cast %shift_right_arithmetic3A_97 : i32 to index
        %swap3A_204 = arith.constant 112 : index
        %swap3A_205 = tpu.vector_load %arg11[%swap3A_202, %swap3A_203, %swap3A_204] {strides = array<i32>} : memref<4x104x128xf32, #tpu.memory_space<vmem>>, vector<16xf32>,
        tpu.vector_store %arg11[%swap3A_202, %swap3A_203, %swap3A_204], %gather3A_201 {strides = array<i32>} : memref<4x104x128xf32, #tpu.memory_space<vmem>>, vector<16xf32>,
      } else {
      }
      %add3A_104 = arith.constant 1 : i32
      %add3A_105 = arith.addi %squeeze3A, %add3A_104 : i32
      %shift_right_arithmetic3A_106 = arith.constant 1 : i32
      %shift_right_arithmetic3A_107 = arith.shrsi %add3A_105, %shift_right_arithmetic3A_106 : i32
      %parallel_loop3A_108 = arith.constant 100 : i32
      %parallel_loop3A_109 = arith.constant 1 : i32
      scf.for %parallel_loop3A_125 = %shift_right_arithmetic3A_107 to %parallel_loop3A_108 step %parallel_loop3A_109  : i32 {
        %parallel_loop3A_126 = arith.constant 2 : i32
        %parallel_loop3A_127 = arith.muli %parallel_loop3A_125, %parallel_loop3A_126 : i32
        %parallel_loop3A_128 = arith.addi %mul3A_94, %parallel_loop3A_127 : i32
        %parallel_loop3A_129 = vector.broadcast %parallel_loop3A_128 : i32 to vector<16xi32>
        %parallel_loop3A_130 = tpu.vector_load_idx %arg9[%parallel_loop3A_129] : memref<25600xi32, #tpu.memory_space<vmem>>[vector<16xi32>], vector<16xi32>,
        %parallel_loop3A_131 = arith.constant 6 : i32
        %parallel_loop3A_132 = vector.broadcast %parallel_loop3A_131 : i32 to vector<16xi32>
        %parallel_loop3A_133 = arith.shli %parallel_loop3A_130, %parallel_loop3A_132 : vector<16xi32>
        %parallel_loop3A_134 = arith.addi %parallel_loop3A_133, %add3A_7 : vector<16xi32>
        %parallel_loop3A_135 = tpu.vector_load_idx %arg7[%parallel_loop3A_134] : memref<1408xf32, #tpu.memory_space<vmem>>[vector<16xi32>], vector<16xf32>,
        %parallel_loop3A_136 = arith.index_cast %rem3A_91 : i32 to index
        %parallel_loop3A_137 = arith.index_cast %parallel_loop3A_125 : i32 to index
        %parallel_loop3A_138 = arith.constant 0 : index
        %parallel_loop3A_139 = tpu.vector_load %arg11[%parallel_loop3A_136, %parallel_loop3A_137, %parallel_loop3A_138] {strides = array<i32>} : memref<4x104x128xf32, #tpu.memory_space<vmem>>, vector<16xf32>,
        tpu.vector_store %arg11[%parallel_loop3A_136, %parallel_loop3A_137, %parallel_loop3A_138], %parallel_loop3A_135 {strides = array<i32>} : memref<4x104x128xf32, #tpu.memory_space<vmem>>, vector<16xf32>,
        %parallel_loop3A_140 = arith.addi %parallel_loop3A_133, %add3A_10 : vector<16xi32>
        %parallel_loop3A_141 = tpu.vector_load_idx %arg7[%parallel_loop3A_140] : memref<1408xf32, #tpu.memory_space<vmem>>[vector<16xi32>], vector<16xf32>,
        %parallel_loop3A_142 = arith.index_cast %rem3A_91 : i32 to index
        %parallel_loop3A_143 = arith.index_cast %parallel_loop3A_125 : i32 to index
        %parallel_loop3A_144 = arith.constant 16 : index
        %parallel_loop3A_145 = tpu.vector_load %arg11[%parallel_loop3A_142, %parallel_loop3A_143, %parallel_loop3A_144] {strides = array<i32>} : memref<4x104x128xf32, #tpu.memory_space<vmem>>, vector<16xf32>,
        tpu.vector_store %arg11[%parallel_loop3A_142, %parallel_loop3A_143, %parallel_loop3A_144], %parallel_loop3A_141 {strides = array<i32>} : memref<4x104x128xf32, #tpu.memory_space<vmem>>, vector<16xf32>,
        %parallel_loop3A_146 = arith.addi %parallel_loop3A_133, %add3A_13 : vector<16xi32>
        %parallel_loop3A_147 = tpu.vector_load_idx %arg7[%parallel_loop3A_146] : memref<1408xf32, #tpu.memory_space<vmem>>[vector<16xi32>], vector<16xf32>,
        %parallel_loop3A_148 = arith.index_cast %rem3A_91 : i32 to index
        %parallel_loop3A_149 = arith.index_cast %parallel_loop3A_125 : i32 to index
        %parallel_loop3A_150 = arith.constant 32 : index
        %parallel_loop3A_151 = tpu.vector_load %arg11[%parallel_loop3A_148, %parallel_loop3A_149, %parallel_loop3A_150] {strides = array<i32>} : memref<4x104x128xf32, #tpu.memory_space<vmem>>, vector<16xf32>,
        tpu.vector_store %arg11[%parallel_loop3A_148, %parallel_loop3A_149, %parallel_loop3A_150], %parallel_loop3A_147 {strides = array<i32>} : memref<4x104x128xf32, #tpu.memory_space<vmem>>, vector<16xf32>,
        %parallel_loop3A_152 = arith.addi %parallel_loop3A_133, %add3A_16 : vector<16xi32>
        %parallel_loop3A_153 = tpu.vector_load_idx %arg7[%parallel_loop3A_152] : memref<1408xf32, #tpu.memory_space<vmem>>[vector<16xi32>], vector<16xf32>,
        %parallel_loop3A_154 = arith.index_cast %rem3A_91 : i32 to index
        %parallel_loop3A_155 = arith.index_cast %parallel_loop3A_125 : i32 to index
        %parallel_loop3A_156 = arith.constant 48 : index
        %parallel_loop3A_157 = tpu.vector_load %arg11[%parallel_loop3A_154, %parallel_loop3A_155, %parallel_loop3A_156] {strides = array<i32>} : memref<4x104x128xf32, #tpu.memory_space<vmem>>, vector<16xf32>,
        tpu.vector_store %arg11[%parallel_loop3A_154, %parallel_loop3A_155, %parallel_loop3A_156], %parallel_loop3A_153 {strides = array<i32>} : memref<4x104x128xf32, #tpu.memory_space<vmem>>, vector<16xf32>,
        %parallel_loop3A_158 = arith.constant 1 : i32
        %parallel_loop3A_159 = arith.addi %parallel_loop3A_127, %parallel_loop3A_158 : i32
        %parallel_loop3A_160 = arith.addi %mul3A_94, %parallel_loop3A_159 : i32
        %parallel_loop3A_161 = vector.broadcast %parallel_loop3A_160 : i32 to vector<16xi32>
        %parallel_loop3A_162 = tpu.vector_load_idx %arg9[%parallel_loop3A_161] : memref<25600xi32, #tpu.memory_space<vmem>>[vector<16xi32>], vector<16xi32>,
        %parallel_loop3A_163 = arith.constant 6 : i32
        %parallel_loop3A_164 = vector.broadcast %parallel_loop3A_163 : i32 to vector<16xi32>
        %parallel_loop3A_165 = arith.shli %parallel_loop3A_162, %parallel_loop3A_164 : vector<16xi32>
        %parallel_loop3A_166 = arith.addi %parallel_loop3A_165, %add3A_7 : vector<16xi32>
        %parallel_loop3A_167 = tpu.vector_load_idx %arg7[%parallel_loop3A_166] : memref<1408xf32, #tpu.memory_space<vmem>>[vector<16xi32>], vector<16xf32>,
        %parallel_loop3A_168 = arith.index_cast %rem3A_91 : i32 to index
        %parallel_loop3A_169 = arith.index_cast %parallel_loop3A_125 : i32 to index
        %parallel_loop3A_170 = arith.constant 64 : index
        %parallel_loop3A_171 = tpu.vector_load %arg11[%parallel_loop3A_168, %parallel_loop3A_169, %parallel_loop3A_170] {strides = array<i32>} : memref<4x104x128xf32, #tpu.memory_space<vmem>>, vector<16xf32>,
        tpu.vector_store %arg11[%parallel_loop3A_168, %parallel_loop3A_169, %parallel_loop3A_170], %parallel_loop3A_167 {strides = array<i32>} : memref<4x104x128xf32, #tpu.memory_space<vmem>>, vector<16xf32>,
        %parallel_loop3A_172 = arith.addi %parallel_loop3A_165, %add3A_10 : vector<16xi32>
        %parallel_loop3A_173 = tpu.vector_load_idx %arg7[%parallel_loop3A_172] : memref<1408xf32, #tpu.memory_space<vmem>>[vector<16xi32>], vector<16xf32>,
        %parallel_loop3A_174 = arith.index_cast %rem3A_91 : i32 to index
        %parallel_loop3A_175 = arith.index_cast %parallel_loop3A_125 : i32 to index
        %parallel_loop3A_176 = arith.constant 80 : index
        %parallel_loop3A_177 = tpu.vector_load %arg11[%parallel_loop3A_174, %parallel_loop3A_175, %parallel_loop3A_176] {strides = array<i32>} : memref<4x104x128xf32, #tpu.memory_space<vmem>>, vector<16xf32>,
        tpu.vector_store %arg11[%parallel_loop3A_174, %parallel_loop3A_175, %parallel_loop3A_176], %parallel_loop3A_173 {strides = array<i32>} : memref<4x104x128xf32, #tpu.memory_space<vmem>>, vector<16xf32>,
        %parallel_loop3A_178 = arith.addi %parallel_loop3A_165, %add3A_13 : vector<16xi32>
        %parallel_loop3A_179 = tpu.vector_load_idx %arg7[%parallel_loop3A_178] : memref<1408xf32, #tpu.memory_space<vmem>>[vector<16xi32>], vector<16xf32>,
        %parallel_loop3A_180 = arith.index_cast %rem3A_91 : i32 to index
        %parallel_loop3A_181 = arith.index_cast %parallel_loop3A_125 : i32 to index
        %parallel_loop3A_182 = arith.constant 96 : index
        %parallel_loop3A_183 = tpu.vector_load %arg11[%parallel_loop3A_180, %parallel_loop3A_181, %parallel_loop3A_182] {strides = array<i32>} : memref<4x104x128xf32, #tpu.memory_space<vmem>>, vector<16xf32>,
        tpu.vector_store %arg11[%parallel_loop3A_180, %parallel_loop3A_181, %parallel_loop3A_182], %parallel_loop3A_179 {strides = array<i32>} : memref<4x104x128xf32, #tpu.memory_space<vmem>>, vector<16xf32>,
        %parallel_loop3A_184 = arith.addi %parallel_loop3A_165, %add3A_16 : vector<16xi32>
        %parallel_loop3A_185 = tpu.vector_load_idx %arg7[%parallel_loop3A_184] : memref<1408xf32, #tpu.memory_space<vmem>>[vector<16xi32>], vector<16xf32>,
        %parallel_loop3A_186 = arith.index_cast %rem3A_91 : i32 to index
        %parallel_loop3A_187 = arith.index_cast %parallel_loop3A_125 : i32 to index
        %parallel_loop3A_188 = arith.constant 112 : index
        %parallel_loop3A_189 = tpu.vector_load %arg11[%parallel_loop3A_186, %parallel_loop3A_187, %parallel_loop3A_188] {strides = array<i32>} : memref<4x104x128xf32, #tpu.memory_space<vmem>>, vector<16xf32>,
        tpu.vector_store %arg11[%parallel_loop3A_186, %parallel_loop3A_187, %parallel_loop3A_188], %parallel_loop3A_185 {strides = array<i32>} : memref<4x104x128xf32, #tpu.memory_space<vmem>>, vector<16xf32>,
      } {sc.loop_unroll_factor = 2 : i64, sc.parallel_access}
      %dma_start3A = arith.constant 0 : i32
      %dma_start3A_110 = arith.constant 0 : i32
      %dma_start3A_111 = tpu.memref_slice %arg11[%rem3A_91, %dma_start3A, %dma_start3A_110] : memref<4x104x128xf32, #tpu.memory_space<vmem>> -> memref<1x100x128xf32, #tpu.memory_space<vmem>>
      %dma_start3A_112 = tpu.memref_squeeze %dma_start3A_111 : memref<1x100x128xf32, #tpu.memory_space<vmem>> -> memref<100x128xf32, #tpu.memory_space<vmem>>
      %dma_start3A_113 = arith.constant 0 : i32
      %dma_start3A_114 = arith.constant 0 : i32
      %dma_start3A_115 = tpu.memref_slice %arg6[%add3A_90, %dma_start3A_113, %dma_start3A_114] : memref<4096x100x128xf32, #tpu.memory_space<hbm>> -> memref<1x100x128xf32, #tpu.memory_space<hbm>>
      %dma_start3A_116 = tpu.memref_squeeze %dma_start3A_115 : memref<1x100x128xf32, #tpu.memory_space<hbm>> -> memref<100x128xf32, #tpu.memory_space<hbm>>
      %dma_start3A_117 = arith.constant 0 : i32
      %dma_start3A_118 = arith.constant 0 : i32
      %dma_start3A_119 = tpu.memref_slice %arg6[%add3A_90, %dma_start3A_117, %dma_start3A_118] : memref<4096x100x128xf32, #tpu.memory_space<hbm>> -> memref<1x100x128xf32, #tpu.memory_space<hbm>>
      %dma_start3A_120 = tpu.memref_squeeze %dma_start3A_119 : memref<1x100x128xf32, #tpu.memory_space<hbm>> -> memref<100x128xf32, #tpu.memory_space<hbm>>
      %dma_start3A_121 = arith.constant 0 : i32
      %dma_start3A_122 = arith.constant 0 : i32
      %dma_start3A_123 = tpu.memref_slice %arg11[%rem3A_91, %dma_start3A_121, %dma_start3A_122] : memref<4x104x128xf32, #tpu.memory_space<vmem>> -> memref<1x100x128xf32, #tpu.memory_space<vmem>>
      %dma_start3A_124 = tpu.memref_squeeze %dma_start3A_123 : memref<1x100x128xf32, #tpu.memory_space<vmem>> -> memref<100x128xf32, #tpu.memory_space<vmem>>
      tpu.enqueue_dma source(%dma_start3A_124 : memref<100x128xf32, #tpu.memory_space<vmem>>) target(%dma_start3A_120 : memref<100x128xf32, #tpu.memory_space<hbm>>) target_semaphore(%arg12 : memref<!tpu.dma_semaphore, #tpu.memory_space<semaphore_mem>>)
    }
    %scan3A_21 = arith.constant 128 : i32
    %dma_wait3A = arith.constant 0 : i32
    %dma_wait3A_22 = arith.constant 0 : i32
    %dma_wait3A_23 = arith.constant 0 : i32
    %dma_wait3A_24 = tpu.memref_slice %arg11[%dma_wait3A, %dma_wait3A_22, %dma_wait3A_23] : memref<4x104x128xf32, #tpu.memory_space<vmem>> -> memref<1x100x128xf32, #tpu.memory_space<vmem>>
    %dma_wait3A_25 = tpu.memref_squeeze %dma_wait3A_24 : memref<1x100x128xf32, #tpu.memory_space<vmem>> -> memref<100x128xf32, #tpu.memory_space<vmem>>
    %dma_wait3A_26 = arith.constant 0 : i32
    %dma_wait3A_27 = arith.constant 0 : i32
    %dma_wait3A_28 = tpu.memref_slice %arg6[%mul3A_2, %dma_wait3A_26, %dma_wait3A_27] : memref<4096x100x128xf32, #tpu.memory_space<hbm>> -> memref<1x100x128xf32, #tpu.memory_space<hbm>>
    %dma_wait3A_29 = tpu.memref_squeeze %dma_wait3A_28 : memref<1x100x128xf32, #tpu.memory_space<hbm>> -> memref<100x128xf32, #tpu.memory_space<hbm>>
    %dma_wait3A_30 = arith.constant 0 : i32
    %dma_wait3A_31 = arith.constant 0 : i32
    %dma_wait3A_32 = tpu.memref_slice %arg6[%mul3A_2, %dma_wait3A_30, %dma_wait3A_31] : memref<4096x100x128xf32, #tpu.memory_space<hbm>> -> memref<1x100x128xf32, #tpu.memory_space<hbm>>
    %dma_wait3A_33 = tpu.memref_squeeze %dma_wait3A_32 : memref<1x100x128xf32, #tpu.memory_space<hbm>> -> memref<100x128xf32, #tpu.memory_space<hbm>>
    %dma_wait3A_34 = arith.constant 0 : i32
    %dma_wait3A_35 = arith.constant 0 : i32
    %dma_wait3A_36 = tpu.memref_slice %arg11[%dma_wait3A, %dma_wait3A_34, %dma_wait3A_35] : memref<4x104x128xf32, #tpu.memory_space<vmem>> -> memref<1x100x128xf32, #tpu.memory_space<vmem>>
    %dma_wait3A_37 = tpu.memref_squeeze %dma_wait3A_36 : memref<1x100x128xf32, #tpu.memory_space<vmem>> -> memref<100x128xf32, #tpu.memory_space<vmem>>
    tpu.wait_dma2 semaphore(%arg12 : memref<!tpu.dma_semaphore, #tpu.memory_space<semaphore_mem>>) src(%dma_wait3A_37 : memref<100x128xf32, #tpu.memory_space<vmem>>) dst(%dma_wait3A_33 : memref<100x128xf32, #tpu.memory_space<hbm>>)
    %dma_wait3A_38 = arith.constant 0 : i32
    %dma_wait3A_39 = arith.constant 0 : i32
    %dma_wait3A_40 = arith.constant 0 : i32
    %dma_wait3A_41 = tpu.memref_slice %arg11[%dma_wait3A_38, %dma_wait3A_39, %dma_wait3A_40] : memref<4x104x128xf32, #tpu.memory_space<vmem>> -> memref<1x100x128xf32, #tpu.memory_space<vmem>>
    %dma_wait3A_42 = tpu.memref_squeeze %dma_wait3A_41 : memref<1x100x128xf32, #tpu.memory_space<vmem>> -> memref<100x128xf32, #tpu.memory_space<vmem>>
    %dma_wait3A_43 = arith.constant 0 : i32
    %dma_wait3A_44 = arith.constant 0 : i32
    %dma_wait3A_45 = tpu.memref_slice %arg6[%mul3A_2, %dma_wait3A_43, %dma_wait3A_44] : memref<4096x100x128xf32, #tpu.memory_space<hbm>> -> memref<1x100x128xf32, #tpu.memory_space<hbm>>
    %dma_wait3A_46 = tpu.memref_squeeze %dma_wait3A_45 : memref<1x100x128xf32, #tpu.memory_space<hbm>> -> memref<100x128xf32, #tpu.memory_space<hbm>>
    %dma_wait3A_47 = arith.constant 0 : i32
    %dma_wait3A_48 = arith.constant 0 : i32
    %dma_wait3A_49 = tpu.memref_slice %arg6[%mul3A_2, %dma_wait3A_47, %dma_wait3A_48] : memref<4096x100x128xf32, #tpu.memory_space<hbm>> -> memref<1x100x128xf32, #tpu.memory_space<hbm>>
    %dma_wait3A_50 = tpu.memref_squeeze %dma_wait3A_49 : memref<1x100x128xf32, #tpu.memory_space<hbm>> -> memref<100x128xf32, #tpu.memory_space<hbm>>
    %dma_wait3A_51 = arith.constant 0 : i32
    %dma_wait3A_52 = arith.constant 0 : i32
    %dma_wait3A_53 = tpu.memref_slice %arg11[%dma_wait3A_38, %dma_wait3A_51, %dma_wait3A_52] : memref<4x104x128xf32, #tpu.memory_space<vmem>> -> memref<1x100x128xf32, #tpu.memory_space<vmem>>
    %dma_wait3A_54 = tpu.memref_squeeze %dma_wait3A_53 : memref<1x100x128xf32, #tpu.memory_space<vmem>> -> memref<100x128xf32, #tpu.memory_space<vmem>>
    tpu.wait_dma2 semaphore(%arg12 : memref<!tpu.dma_semaphore, #tpu.memory_space<semaphore_mem>>) src(%dma_wait3A_54 : memref<100x128xf32, #tpu.memory_space<vmem>>) dst(%dma_wait3A_50 : memref<100x128xf32, #tpu.memory_space<hbm>>)
    %dma_wait3A_55 = arith.constant 0 : i32
    %dma_wait3A_56 = arith.constant 0 : i32
    %dma_wait3A_57 = arith.constant 0 : i32
    %dma_wait3A_58 = tpu.memref_slice %arg11[%dma_wait3A_55, %dma_wait3A_56, %dma_wait3A_57] : memref<4x104x128xf32, #tpu.memory_space<vmem>> -> memref<1x100x128xf32, #tpu.memory_space<vmem>>
    %dma_wait3A_59 = tpu.memref_squeeze %dma_wait3A_58 : memref<1x100x128xf32, #tpu.memory_space<vmem>> -> memref<100x128xf32, #tpu.memory_space<vmem>>
    %dma_wait3A_60 = arith.constant 0 : i32
    %dma_wait3A_61 = arith.constant 0 : i32
    %dma_wait3A_62 = tpu.memref_slice %arg6[%mul3A_2, %dma_wait3A_60, %dma_wait3A_61] : memref<4096x100x128xf32, #tpu.memory_space<hbm>> -> memref<1x100x128xf32, #tpu.memory_space<hbm>>
    %dma_wait3A_63 = tpu.memref_squeeze %dma_wait3A_62 : memref<1x100x128xf32, #tpu.memory_space<hbm>> -> memref<100x128xf32, #tpu.memory_space<hbm>>
    %dma_wait3A_64 = arith.constant 0 : i32
    %dma_wait3A_65 = arith.constant 0 : i32
    %dma_wait3A_66 = tpu.memref_slice %arg6[%mul3A_2, %dma_wait3A_64, %dma_wait3A_65] : memref<4096x100x128xf32, #tpu.memory_space<hbm>> -> memref<1x100x128xf32, #tpu.memory_space<hbm>>
    %dma_wait3A_67 = tpu.memref_squeeze %dma_wait3A_66 : memref<1x100x128xf32, #tpu.memory_space<hbm>> -> memref<100x128xf32, #tpu.memory_space<hbm>>
    %dma_wait3A_68 = arith.constant 0 : i32
    %dma_wait3A_69 = arith.constant 0 : i32
    %dma_wait3A_70 = tpu.memref_slice %arg11[%dma_wait3A_55, %dma_wait3A_68, %dma_wait3A_69] : memref<4x104x128xf32, #tpu.memory_space<vmem>> -> memref<1x100x128xf32, #tpu.memory_space<vmem>>
    %dma_wait3A_71 = tpu.memref_squeeze %dma_wait3A_70 : memref<1x100x128xf32, #tpu.memory_space<vmem>> -> memref<100x128xf32, #tpu.memory_space<vmem>>
    tpu.wait_dma2 semaphore(%arg12 : memref<!tpu.dma_semaphore, #tpu.memory_space<semaphore_mem>>) src(%dma_wait3A_71 : memref<100x128xf32, #tpu.memory_space<vmem>>) dst(%dma_wait3A_67 : memref<100x128xf32, #tpu.memory_space<hbm>>)
    %dma_wait3A_72 = arith.constant 0 : i32
    %dma_wait3A_73 = arith.constant 0 : i32
    %dma_wait3A_74 = arith.constant 0 : i32
    %dma_wait3A_75 = tpu.memref_slice %arg11[%dma_wait3A_72, %dma_wait3A_73, %dma_wait3A_74] : memref<4x104x128xf32, #tpu.memory_space<vmem>> -> memref<1x100x128xf32, #tpu.memory_space<vmem>>
    %dma_wait3A_76 = tpu.memref_squeeze %dma_wait3A_75 : memref<1x100x128xf32, #tpu.memory_space<vmem>> -> memref<100x128xf32, #tpu.memory_space<vmem>>
    %dma_wait3A_77 = arith.constant 0 : i32
    %dma_wait3A_78 = arith.constant 0 : i32
    %dma_wait3A_79 = tpu.memref_slice %arg6[%mul3A_2, %dma_wait3A_77, %dma_wait3A_78] : memref<4096x100x128xf32, #tpu.memory_space<hbm>> -> memref<1x100x128xf32, #tpu.memory_space<hbm>>
    %dma_wait3A_80 = tpu.memref_squeeze %dma_wait3A_79 : memref<1x100x128xf32, #tpu.memory_space<hbm>> -> memref<100x128xf32, #tpu.memory_space<hbm>>
    %dma_wait3A_81 = arith.constant 0 : i32
    %dma_wait3A_82 = arith.constant 0 : i32
    %dma_wait3A_83 = tpu.memref_slice %arg6[%mul3A_2, %dma_wait3A_81, %dma_wait3A_82] : memref<4096x100x128xf32, #tpu.memory_space<hbm>> -> memref<1x100x128xf32, #tpu.memory_space<hbm>>
    %dma_wait3A_84 = tpu.memref_squeeze %dma_wait3A_83 : memref<1x100x128xf32, #tpu.memory_space<hbm>> -> memref<100x128xf32, #tpu.memory_space<hbm>>
    %dma_wait3A_85 = arith.constant 0 : i32
    %dma_wait3A_86 = arith.constant 0 : i32
    %dma_wait3A_87 = tpu.memref_slice %arg11[%dma_wait3A_72, %dma_wait3A_85, %dma_wait3A_86] : memref<4x104x128xf32, #tpu.memory_space<vmem>> -> memref<1x100x128xf32, #tpu.memory_space<vmem>>
    %dma_wait3A_88 = tpu.memref_squeeze %dma_wait3A_87 : memref<1x100x128xf32, #tpu.memory_space<vmem>> -> memref<100x128xf32, #tpu.memory_space<vmem>>
    tpu.wait_dma2 semaphore(%arg12 : memref<!tpu.dma_semaphore, #tpu.memory_space<semaphore_mem>>) src(%dma_wait3A_88 : memref<100x128xf32, #tpu.memory_space<vmem>>) dst(%dma_wait3A_84 : memref<100x128xf32, #tpu.memory_space<hbm>>)
    return
  }
}

</mosaic_0001>

<sc_bundles>
// kernel: kernel.3.cloned.1.call-start
scs
__scs_entry_jumppad:
0x0: {  	(pc) =	sbr.rel $0x88, $3  }
0x1: {  	(tag) =	ssettag $0x0;
	lr =	simm.s32 $0x1  }
0x2: {  	[smem:$0x3F9D] =	sst lr;
	_ =	strace $0xD0000000  }
0x3: {  	_ = 	snop  }
0x4: {  	_ = 	snop  }
0x5: {  	_ = 	snop  }
0x6: {  	_ = 	snop  }
0x7: {  	_ = 	snop  }
__scs_overlays_trampoline_lowered:
0x8: {  	[smem:$0x3FAC] =	sst s0  }
0x9: {  	[smem:$0x3FAD] =	sst s1  }
0xa: {  	[smem:$0x3FAE] =	sst s2  }
0xb: {  	[smem:$0x3FAF] =	sst s3  }
0xc: {  	[smem:$0x3FB0] =	sst s4  }
0xd: {  	[smem:$0x3FB1] =	sst s5  }
0xe: {  	[smem:$0x3FB2] =	sst s6  }
0xf: {  	[smem:$0x3FB3] =	sst s7  }
0x10: {  	[smem:$0x3FB4] =	sst s8  }
0x11: {  	[smem:$0x3FB5] =	sst s9;
	s0 =	simm.s32 @!p0 $0x0  }
0x12: {  	s1 =	sld [smem:$0x3F9B];
	s0 =	simm.s32 @p0 $0x1  }
0x13: {  	[smem:$0x3FB6] =	sst s0;
	s0 =	simm.s32 @!p1 $0x0  }
0x14: {  	s2 =	sld [smem:$0x3F9A];
	s0 =	simm.s32 @p1 $0x1  }
0x15: {  	[smem:$0x3FB7] =	sst s0;
	s0 =	simm.s32 @!p2 $0x0  }
0x16: {  	s3 =	sld [smem:$0x3FDB];
	s0 =	simm.s32 @p2 $0x1  }
0x17: {  	s4 =	simm.s32 $0x1BF5;
	[smem:$0x3FB9] =	sst s0  }
0x18: {  	s0 =	sld [smem:$0x3F9C];
	_ =	swait.ge [sflag:s4], $0x0  }
0x19: {  	s7 =	sld [smem:$0x3F9D]  }
0x1a: {  	s8 =	sadd.s32 $0xFFFFE003, lr  }
0x1b: {  	s9 =	sadd.s32 $0xFFFFFEF7, lr;
	s5 =	simm.s32 $0xFFFFFFFF;
	p2 =	slt.u32 s8, $0xFFFFF086  }
0x1c: {  	p1 =	slt.u32 s9, $0xF7A;
	s5 =	simm.s32 @!p2 $0x0  }
0x1d: {  	s5 =	simm.s32 @p1 $0x1;
	p0 =	seq.s32 s7, s2  }
0x1e: {  	s7 =	smul.u32 @!p0 $0xF7A, s2;
	p2 =	seq.s32 @!p0 s5, $0x0  }
0x1f: {  	s9 =	smul.u32 $0xF7A, s1;
	s8 =	simm.s32 @!p0 $0x1BF5;
	p2 =	por !p2, p0  }
0x20: {  	[sflag:s8] =	ssyncset.s32 @!p0 $0xFFFFF086;
	s6 =	sadd.s32 @!p0 s3, s7;
	s7 =	simm.s32 @!p0 $0x108  }
0x21: {  	s3 =	sadd.s32 s3, s9;
	s6 =	sadd.s32 @!p0 $0x88, s6;
	s7 =	simm.s32 @p2 $0x1082  }
0x22: {  	[simem:s7], [sflag:s8] =	dma.local @!p0 [hbm:s6], $0xF7A  }
0x23: {  	s9 =	sor.u32 $0xD0000000, s2;
	s6 =	simm.s32 $0x108;
	_ =	swait.ge @!p0 [sflag:s8], $0x0  }
0x24: {  	s3 =	sadd.s32 $0x88, s3;
	s6 =	simm.s32 @!p1 $0x1082;
	[sflag:s4] =	ssyncset.s32 $0xFFFFF086  }
0x25: {  	[simem:s6], [sflag:s4] =	dma.local [hbm:s3], $0xF7A  }
0x26: {  	[smem:$0x3F9D] =	sst s1;
	(tag) =	ssettag s2;
	_ =	strace s9  }
0x27: {  	s1 =	sld [smem:$0x3FAD]  }
0x28: {  	s2 =	sld [smem:$0x3FAE]  }
0x29: {  	s4 =	sld [smem:$0x3FB0]  }
0x2a: {  	p0 =	seq.s32 s5, $0x0;
	s5 =	sld [smem:$0x3FB1]  }
0x2b: {  	s6 =	sld [smem:$0x3FB2]  }
0x2c: {  	s7 =	sld [smem:$0x3FB3]  }
0x2d: {  	s3 =	simm.s32 $0x108;
	s8 =	sld [smem:$0x3FB4]  }
0x2e: {  	s3 =	simm.s32 @!p0 $0x1082;
	s9 =	sld [smem:$0x3FB5]  }
0x2f: {  	lr =	sadd.s32 s0, s3;
	s0 =	sld [smem:$0x3FAC]  }
0x30: {  	s3 =	sld [smem:$0x3FAF]  }
0x31: {  	[smem:$0x3FB8] =	sst s10  }
0x32: {  	s10 =	sld [smem:$0x3FB6];
	_ =	sdelay $0x3  }
0x33: {  	p0 =	seq.s32 s10, $0x1;
	s10 =	sld [smem:$0x3FB8];
	_ =	sdelay $0x3  }
0x34: {  	[smem:$0x3FB8] =	sst s10  }
0x35: {  	s10 =	sld [smem:$0x3FB7];
	_ =	sdelay $0x3  }
0x36: {  	p1 =	seq.s32 s10, $0x1;
	s10 =	sld [smem:$0x3FB8];
	_ =	sdelay $0x3  }
0x37: {  	[smem:$0x3FB8] =	sst s10  }
0x38: {  	s10 =	sld [smem:$0x3FB9]  }
0x39: {  	_ = 	snop;
	(pc) =	sbr.ind lr, $3  }
0x3a: {  	_ = 	snop  }
0x3b: {  	_ = 	snop  }
0x3c: {  	p2 =	seq.s32 s10, $0x1;
	s10 =	sld [smem:$0x3FB8]  }
0x3d: {  	_ =	shalt  }
0x3e: {  	_ =	shalt  }
0x3f: {  	_ =	shalt  }
0x40: {  	_ =	shalt  }
0x41: {  	_ =	shalt  }
0x42: {  	_ =	shalt  }
0x43: {  	_ =	shalt  }
0x44: {  	_ =	shalt  }
0x45: {  	_ =	shalt  }
0x46: {  	_ =	shalt  }
0x47: {  	_ =	shalt  }
0x48: {  	_ =	shalt  }
0x49: {  	_ =	shalt  }
0x4a: {  	_ =	shalt  }
0x4b: {  	_ =	shalt  }
0x4c: {  	_ =	shalt  }
0x4d: {  	_ =	shalt  }
0x4e: {  	_ =	shalt  }
0x4f: {  	_ =	shalt  }
0x50: {  	_ =	shalt  }
0x51: {  	_ =	shalt  }
0x52: {  	_ =	shalt  }
0x53: {  	_ =	shalt  }
0x54: {  	_ =	shalt  }
0x55: {  	_ =	shalt  }
0x56: {  	_ =	shalt  }
0x57: {  	_ =	shalt  }
0x58: {  	_ =	shalt  }
0x59: {  	_ =	shalt  }
0x5a: {  	_ =	shalt  }
0x5b: {  	_ =	shalt  }
0x5c: {  	_ =	shalt  }
0x5d: {  	_ =	shalt  }
0x5e: {  	_ =	shalt  }
0x5f: {  	_ =	shalt  }
0x60: {  	_ =	shalt  }
0x61: {  	_ =	shalt  }
0x62: {  	_ =	shalt  }
0x63: {  	_ =	shalt  }
0x64: {  	_ =	shalt  }
0x65: {  	_ =	shalt  }
0x66: {  	_ =	shalt  }
0x67: {  	_ =	shalt  }
0x68: {  	_ =	shalt  }
0x69: {  	_ =	shalt  }
0x6a: {  	_ =	shalt  }
0x6b: {  	_ =	shalt  }
0x6c: {  	_ =	shalt  }
0x6d: {  	_ =	shalt  }
0x6e: {  	_ =	shalt  }
0x6f: {  	_ =	shalt  }
0x70: {  	_ =	shalt  }
0x71: {  	_ =	shalt  }
0x72: {  	_ =	shalt  }
0x73: {  	_ =	shalt  }
0x74: {  	_ =	shalt  }
0x75: {  	_ =	shalt  }
0x76: {  	_ =	shalt  }
0x77: {  	_ =	shalt  }
0x78: {  	_ =	shalt  }
0x79: {  	_ =	shalt  }
0x7a: {  	_ =	shalt  }
0x7b: {  	_ =	shalt  }
0x7c: {  	_ =	shalt  }
0x7d: {  	_ =	shalt  }
0x7e: {  	_ =	shalt  }
0x7f: {  	_ =	shalt  }
0x80: {  	_ =	shalt  }
0x81: {  	_ =	shalt  }
0x82: {  	_ =	shalt  }
0x83: {  	_ =	shalt  }
0x84: {  	_ =	shalt  }
0x85: {  	_ =	shalt  }
0x86: {  	_ =	shalt  }
0x87: {  	_ =	shalt  }
.Lfunc_end0:
.L_simem_size_0:
called_computation_lowered:
.L_overlay_start_0:
0x88: {  	s2 =	sld [smem:$0x3FD9]  }
0x89: {  	s3 =	sld [smem:$0x3FFE];
	_ =	sdelay $0x1  }
0x8a: {  	s1 =	srdreg.scid  }
0x8b: {  	s0 =	sand.u32 $0x1, s1  }
0x8c: {  	s17 =	sshll.u32 s0, $0xA;
	s2 =	sadd.s32 s3, s2  }
0x8d: {  	s2 =	sadd.s32 s2, s17  }
0x8e: {  	[smem:$0x3FC4] =	sst s2  }
0x8f: {  	_ = 	snop  }
0x90: {  	s2 =	sld [smem:$0x3FC8]  }
0x91: {  	s18 =	sld [smem:$0x3FD0];
	(tm) =	ssettm $0x1  }
0x92: {  	s4 =	sld [smem:$0x3FFB];
	_ =	sdelay $0x3  }
0x93: {  	_ =	strace s4  }
0x94: {  	s4 =	sld [smem:$0x3FFC];
	_ =	sdelay $0x3  }
0x95: {  	_ =	strace s4  }
0x96: {  	s4 =	sld [smem:$0x3FFD];
	_ =	sdelay $0x3  }
0x97: {  	_ =	strace s4  }
0x98: {  	_ =	strace $0x8FFFFFFF  }
0x99: {  	s19 =	sld [smem:$0x3FDB];
	_ =	sdelay $0x1  }
0x9a: {  	s5 =	simm.s32 $_scs_section_size  }
0x9b: {  	s6 =	simm.s32 $_size__tile_overlayer_lowered;
	s7 =	simm.s32 $_tile_overlayer_lowered  }
0x9c: {  	s22 =	simm.s32 $0x1BFF;
	s21 =	sshll.u32 s7, $0x1;
	s4 =	sadd.s32 s5, s19  }
0x9d: {  	s8 =	simm.s32 $0x0;
	s20 =	sshll.u32 s6, $0x1;
	s6 =	sadd.s32 s21, s4  }
0x9e: {  	[timem:s8], [sflag:s22] =	dma.local [hbm:s6], s20  }
0x9f: {  	_ =	swait.ge [sflag:s22], s20  }
0xa0: {  	s5 =	ssub.s32 $0x0, s20;
	[sflag:s22] =	ssyncset.done $0x0  }
0xa1: {  	[sflag:s22] =	ssyncadd.s32 s5;
	_ =	sdelay $0x1  }
0xa2: {  	s23 =	simm.s32 $0x1B8B  }
0xa3: {  	_ =	swait.ge [sflag:s23], $0x1  }
0xa4: {  	[sflag:s23] =	ssyncset.done $0x0  }
0xa5: {  	s25 =	simm.s32 $0x1B8E;
	s24 =	sld [smem:$0x3FFE];
	[sflag:s23] =	ssyncadd.s32 $0xFFFFFFFF  }
0xa6: {  	s26 =	simm.s32 $execute0_lowered;
	[smem:$0x3FD2] =	sst s25  }
0xa7: {  	s6 =	sshll.u32 s26, $0x1;
	_ =	strace $0x80000046;
	[dreg:$0x1] =	wrdreg $0xFFFFFFFF  }
0xa8: {  	s28 =	simm.s32 $_size_execute0_lowered;
	s4 =	sadd.s32 s4, s6;
	[dreg:$0x0] =	wrdreg $0x0  }
0xa9: {  	s6 =	sshll.u32 s28, $0x1;
	[dreg:$0x2] =	wrdreg s4  }
0xaa: {  	[dreg:$0x3] =	wrdreg s6  }
0xab: {  	[dreg:$0x4] =	wrdreg $0xC0  }
0xac: {  	_ =	task [dreg:s8], $0x5FFFF  }
0xad: {  	[dreg:$0x1] =	wrdreg $0xFFFFFFFF  }
0xae: {  	[dreg:$0x0] =	wrdreg $0x60  }
0xaf: {  	[dreg:$0x2] =	wrdreg s18  }
0xb0: {  	[dreg:$0x3] =	wrdreg s2  }
0xb1: {  	[dreg:$0x4] =	wrdreg s24  }
0xb2: {  	[dreg:$0x5] =	wrdreg $0x9  }
0xb3: {  	_ =	task.clear_ibuf [dreg:s8], $0x6FFFF;
	_ =	strace $0x90000046  }
0xb4: {  	s29 =	simm.s32 $0x9;
	_ =	strace $0x80000048  }
0xb5: {  	_ =	swait.ge [sflag:s29], $0x1  }
0xb6: {  	[sflag:s29] =	ssyncadd.s32 $0xFFFFFFFF  }
0xb7: {  	_ =	strace $0x90000048  }
0xb8: {  	_ =	sfence  }
0xb9: {  	s30 =	sld [smem:$0x0];
	_ =	sdelay $0x2  }
0xba: {  	s31 =	sshll.u32 s1, $0xD;
	s1 =	sshrl.u32 s1, $0x2  }
0xbb: {  	s3 =	sand.u32 $0x4000, s31;
	s1 =	sadd.s32 s1, s30  }
0xbc: {  	s0 =	sor.u32 s3, s0;
	s1 =	sshll.u32 s1, $0x11  }
0xbd: {  	s0 =	sor.u32 s1, s0  }
0xbe: {  	s0 =	sadd.s32 $0x8F2B, s0  }
0xbf: {  	[sflag:s0] =	ssyncadd.remote.s32 $0x1  }
0xc0: {  	_ =	sfence.sel $0xFFFF  }
0xc1: {  	[dreg:$0x0] =	wrdreg $0xFFFFFFFF;
	(pc) =	sbr.abs _section_cstart, $3  }
0xc2: {  	[dreg:$0x1] =	wrdreg $0xFFFFFFFF  }
0xc3: {  	_ =	task.clear_ibuf [dreg:s8], $0x2FFFF;
	_ =	strace $0x9FFFFFFF  }
0xc4: {  	(tm) =	ssettm $0x7FFFFFFF  }
0xc5: {  	_ =	shalt  }
tec
execute0_lowered:
.L_overlay_start_1:
0x0: {  	(tag) =	ssettag $0x1  }
0x1: {  	s0 =	rddreg [dreg:$0x0]  }
0x2: {  	s1 =	rddreg [dreg:$0x1]  }
0x3: {  	s3 =	rddreg [dreg:$0x2]  }
0x4: {  	s2 =	simm.s32 $0x0;
	s4 =	srdreg.scid;
	s5 =	stileid.u32  }
0x5: {  	[smem:$0x7FF] =	sst s2;
	s6 =	sadd.s32 $0x400, s3;
	s4 =	sand.u32 $0x1, s4  }
0x6: {  	s5 =	sshll.u32 s5, $0x1;
	s26 =	sadd.s32 $0x600, s3;
	_ =	strace $0x80000047  }
0x7: {  	[dreg:$0x4] =	wrdreg s6;
	s28 =	ssub.s32 $0x2, s4;
	s4 =	sor.u32 s4, s5  }
0x8: {  	[dreg:$0x5] =	wrdreg s26;
	s7 =	smul.u32 $0xC80, s4  }
.Ltmp0:
0x9: {  	s6 =	sshll.u32 s4, $0x7;
	s4 =	sshll.u32 s4, $0x4;
	(pc) =	sbr.rel .LBB2_1-.Ltmp0, $4  }
0xa: {  	s5 =	sadd.s32 $0xE00, s3;
	s29 =	sshrl.u32 s28, $0x1;
	s30 =	sadd.s32 s1, s4  }
0xb: {  	s3 =	ssub.s32 s28, s29;
	s0 =	sadd.s32 s0, s7;
	[dreg:$0x7] =	wrdreg s30  }
0xc: {  	v0 =	vlaneseq.u32;
	s31 =	smax.u32 s3, $0x1;
	[dreg:$0x6] =	wrdreg s0  }
0xd: {  	s12 =	simm.s32 $0x3A00;
	s15 =	simm.s32 $0x0;
	v1 =	vor.u32 $0x10, v0;
	v2 =	vor.u32 $0x20, v0;
	v3 =	vor.u32 $0x30, v0;
	[dreg:$0x8] =	wrdreg s31  }
.LBB2_29:
0xe: {  	s1 =	simm.s32 $0x1  }
0xf: {  	_ =	swait.ge [sflag:s1], $0x3200  }
0x10: {  	[sflag:s1] =	ssyncset.done $0x0  }
0x11: {  	[sflag:s1] =	ssyncadd.s32 $0xFFFFCE00  }
0x12: {  	_ =	swait.ge [sflag:s1], $0x3200  }
0x13: {  	[sflag:s1] =	ssyncset.done $0x0  }
0x14: {  	[sflag:s1] =	ssyncadd.s32 $0xFFFFCE00  }
0x15: {  	_ =	swait.ge [sflag:s1], $0x3200  }
0x16: {  	[sflag:s1] =	ssyncset.done $0x0  }
0x17: {  	[sflag:s1] =	ssyncadd.s32 $0xFFFFCE00  }
0x18: {  	_ =	swait.ge [sflag:s1], $0x3200  }
0x19: {  	s15 =	sadd.s32 $0x1, s15;
	s0 =	rddreg [dreg:$0x8]  }
0x1a: {  	p0 =	sne.s32 s15, s0  }
.Ltmp1:
0x1b: {  	_ = 	snop;
	(pc) =	sbr.rel @!p0 .LBB2_30-.Ltmp1, $3  }
0x1c: {  	_ =	sdelay $0x1  }
0x1d: {  	[sflag:s1] =	ssyncset.done $0x0  }
0x1e: {  	[sflag:s1] =	ssyncadd.s32 $0xFFFFCE00  }
.LBB2_1:
0x1f: {  	s0 =	rddreg [dreg:$0x4];
	s1 =	simm.s32 $0x2  }
0x20: {  	[tilespmem:s2], [sflag:$0x2] =	stream.linear.gather [hbm4b:s0+s2], $0x580, $0x38;
	[tilespmem:$0x16F00] =	vst v63  }
0x21: {  	_ =	swait.ge [sflag:s1], $0x580  }
0x22: {  	[sflag:s1] =	ssyncset.done $0x0  }
0x23: {  	s3 =	simm.s32 $0x580;
	s28 =	rddreg [dreg:$0x5];
	[sflag:s1] =	ssyncadd.s32 $0xFFFFFA80  }
0x24: {  	[tilespmem:s3], [sflag:$0x2] =	stream.linear.gather [hbm4b:s28+s2], $0x3480, $0x38;
	[tilespmem:$0x16F00] =	vst v63  }
0x25: {  	_ =	swait.ge [sflag:s1], $0x3480  }
0x26: {  	[sflag:s1] =	ssyncset.done $0x0  }
0x27: {  	s29 =	rddreg [dreg:$0x6];
	[sflag:s1] =	ssyncadd.s32 $0xFFFFCB80  }
0x28: {  	[tilespmem:s12], [sflag:$0x2] =	stream.linear.gather [hbm4b:s29+s2], $0x6400, $0x38;
	[tilespmem:$0x16F00] =	vst v63  }
0x29: {  	_ =	swait.ge [sflag:s1], $0x6400  }
0x2a: {  	s31 =	simm.s32 $0x9E00;
	[sflag:s1] =	ssyncset.done $0x0  }
.Ltmp2:
0x2b: {  	s30 =	rddreg [dreg:$0x7];
	[sflag:s1] =	ssyncadd.s32 $0xFFFF9C00;
	(pc) =	sbr.rel .LBB2_2-.Ltmp2, $4  }
0x2c: {  	[tilespmem:s31], [sflag:$0x2] =	stream.linear.gather [hbm4b:s30+s2], $0x80, $0x38;
	[tilespmem:$0x16F00] =	vst v63  }
0x2d: {  	_ =	swait.ge [sflag:s1], $0x80  }
0x2e: {  	s16 =	simm.s32 $0x0;
	[sflag:s1] =	ssyncset.done $0x0  }
0x2f: {  	s17 =	simm.s32 $0x0;
	s18 =	simm.s32 $0x0;
	[sflag:s1] =	ssyncadd.s32 $0xFFFFFF80  }
.LBB2_7:
0x30: {  	s1 =	smov.u32 s19  }
.LBB2_27:
0x31: {  	_ =	sdelay $0x3  }
0x32: {  	v20 =	vld.idx.msk [tilespmem:v20+s2+$0x0], $0xffff  }
0x33: {  	v18 =	vld.idx.msk [tilespmem:v18+s2+$0x0], $0xffff;
	v29 =	vor.u32 v1, v7  }
0x34: {  	v36 =	vor.u32 v1, v5  }
0x35: {  	v37 =	vor.u32 @p0 v2, v35;
	s7 =	sadd.s32 @p0 $0x100, s1;
	s4 =	smov.u32 s19  }
0x36: {  	s4 =	smov.u32 @p0 s7  }
0x37: {  	[tilespmem:s4+$0x0] =	vst v20  }
0x38: {  	[tilespmem:s4+$0xFFFFFF80] =	vst v18;
	v20 =	vld.idx.msk [tilespmem:v29+s2+$0x0], $0xffff  }
0x39: {  	v47 =	vor.u32 v2, v7;
	[tilespmem:s1+$0xFFFFFF90] =	vst @p0 v21;
	v48 =	vld.idx.msk [tilespmem:v36+s2+$0x0], $0xffff  }
0x3a: {  	v49 =	vor.u32 v2, v5;
	v29 =	vld.idx.msk @p0 [tilespmem:v37+s2+$0x0], $0xffff  }
0x3b: {  	v35 =	vor.u32 @p0 v3, v35  }
0x3c: {  	[tilespmem:s1+$0x20] =	vst @p0 v19  }
0x3d: {  	s7 =	sadd.s32 @p0 $0x3, s9;
	v19 =	vld.idx.msk @p0 [tilespmem:v26+s2+$0x0], $0xffff;
	[tilespmem:s4+$0x10] =	vst v20  }
0x3e: {  	v20 =	vmov @p0 s7;
	[tilespmem:s4+$0xFFFFFF90] =	vst v48;
	v18 =	vld.idx.msk [tilespmem:v47+s2+$0x0], $0xffff  }
0x3f: {  	v50 =	vor.u32 v3, v7;
	[tilespmem:s1+$0xFFFFFFA0] =	vst @p0 v29;
	v21 =	vld.idx.msk [tilespmem:v49+s2+$0x0], $0xffff  }
0x40: {  	v5 =	vor.u32 v3, v5;
	s7 =	sadd.s32 @p0 $0x1, s9;
	v26 =	vld.idx.msk @p0 [tilespmem:v35+s2+$0x0], $0xffff  }
0x41: {  	[tilespmem:s3+$0xFFFFFFB0] =	vst @p1 v22;
	v22 =	vmov @p0 s7  }
0x42: {  	[tilespmem:s1+$0x30] =	vst @p0 v19;
	v29 =	vld.idx.msk @p1 [tilespmem:v34+s12+$0x0], $0xffff;
	v17 =	vpsel p0, v22, v17  }
0x43: {  	v19 =	vld.idx.msk @p0 [tilespmem:v20+s12+$0x0], $0xffff;
	[tilespmem:s4+$0x20] =	vst v18  }
0x44: {  	s30 =	sadd.s32 $0x3, s22;
	[tilespmem:s4+$0xFFFFFFA0] =	vst v21;
	v7 =	vld.idx.msk [tilespmem:v50+s2+$0x0], $0xffff  }
0x45: {  	s0 =	smov.u32 @p0 s1;
	s31 =	sadd.s32 $0x1, s22;
	v51 =	vmov s30;
	v13 =	vpsel p0, v26, v13;
	v5 =	vld.idx.msk [tilespmem:v5+s2+$0x0], $0xffff  }
0x46: {  	v52 =	vmov s31;
	[tilespmem:s0+$0xFFFFFFB0] =	vst @p0 v13  }
0x47: {  	[tilespmem:s11+$0x50] =	vst @p2 v30;
	v20 =	vshll.u32 @p1 v29, $0x6;
	v17 =	vld.idx.msk @p0 [tilespmem:v17+s12+$0x0], $0xffff  }
0x48: {  	[tilespmem:s11+$0xFFFFFFC0] =	vst @p2 v27;
	v23 =	vld.idx.msk @p2 [tilespmem:v23+s2+$0x0], $0xffff;
	v22 =	vor.u32 @p1 v0, v20  }
0x49: {  	v21 =	vld.idx.msk @p2 [tilespmem:v32+s2+$0x0], $0xffff;
	v19 =	vshll.u32 @p0 v19, $0x6;
	[tilespmem:s4+$0x30] =	vst v7  }
0x4a: {  	v26 =	vor.u32 @p0 v0, v19;
	v7 =	vor.u32 @p2 v2, v14;
	[tilespmem:s4+$0xFFFFFFB0] =	vst v5;
	v18 =	vld.idx.msk [tilespmem:v51+s12+$0x0], $0xffff  }
0x4b: {  	v5 =	vor.u32 @p2 v3, v31;
	v13 =	vld.idx.msk [tilespmem:v52+s12+$0x0], $0xffff  }
0x4c: {  	v24 =	vld.idx.msk @p1 [tilespmem:v24+s2+$0x0], $0xffff;
	v16 =	vpsel p0, v26, v16;
	v17 =	vshll.u32 @p0 v17, $0x6  }
0x4d: {  	s1 =	smov.u32 @p2 s11;
	v22 =	vld.idx.msk @p1 [tilespmem:v22+s2+$0x0], $0xffff;
	v26 =	vmov @p1 v28;
	v27 =	vor.u32 @p0 v0, v17  }
0x4e: {  	[tilespmem:s1+$0xFFFFFFD0] =	vst @p2 v21;
	v28 =	vor.u32 @p1 v1, v20;
	v21 =	vor.u32 @p1 v1, v26  }
0x4f: {  	[tilespmem:s1+$0x60] =	vst @p2 v23;
	v12 =	vpsel p1, v28, v12;
	v7 =	vld.idx.msk @p2 [tilespmem:v7+s2+$0x0], $0xffff;
	v18 =	vshll.u32 v18, $0x6  }
0x50: {  	v5 =	vld.idx.msk @p2 [tilespmem:v5+s2+$0x0], $0xffff;
	v13 =	vshll.u32 v13, $0x6;
	v53 =	vor.u32 v0, v18  }
0x51: {  	[tilespmem:s13+$0xFFFFFFF0] =	vst @p3 v33;
	v15 =	vpsel p0, v19, v15;
	v16 =	vld.idx.msk @p0 [tilespmem:v16+s2+$0x0], $0xffff;
	v54 =	vor.u32 v0, v13  }
0x52: {  	s19 =	smov.u32 @p1 s3;
	[tilespmem:s3+$0x40] =	vst @p1 v24;
	v10 =	vpsel p1, v22, v10;
	v22 =	vor.u32 @p0 v1, v15;
	v24 =	vld.idx.msk @p0 [tilespmem:v27+s2+$0x0], $0xffff  }
0x53: {  	v14 =	vor.u32 @p2 v3, v14;
	[tilespmem:s19+$0xFFFFFFC0] =	vst @p1 v10;
	v10 =	vor.u32 @p0 v1, v17;
	v21 =	vld.idx.msk @p1 [tilespmem:v21+s2+$0x0], $0xffff  }
0x54: {  	v10 =	vpsel p0, v10, v0;
	[tilespmem:s1+$0xFFFFFFE0] =	vst @p2 v7;
	v7 =	vld.idx.msk @p1 [tilespmem:v12+s2+$0x0], $0xffff  }
0x55: {  	v8 =	vpsel p1, v20, v8;
	[tilespmem:s1+$0x70] =	vst @p2 v5;
	v5 =	vpsel p1, v25, v6;
	v55 =	vld.idx.msk [tilespmem:v53+s2+$0x0], $0xffff  }
0x56: {  	v56 =	vor.u32 v1, v18;
	v12 =	vor.u32 @p0 v2, v19;
	[tilespmem:s0+$0x40] =	vst @p0 v16;
	v57 =	vld.idx.msk [tilespmem:v54+s2+$0x0], $0xffff  }
0x57: {  	v58 =	vor.u32 v1, v13;
	s0 =	smov.u32 @p0 s0;
	v11 =	vpsel p0, v12, v11;
	v19 =	vld.idx.msk @p0 [tilespmem:v22+s2+$0x0], $0xffff;
	v20 =	vpsel p0, v24, v0  }
0x58: {  	v14 =	vld.idx.msk @p2 [tilespmem:v14+s2+$0x0], $0xffff;
	v9 =	vpsel p1, v21, v9;
	v21 =	vor.u32 @p1 v2, v8;
	[tilespmem:s0+$0xFFFFFFC0] =	vst @p0 v20  }
0x59: {  	[tilespmem:s19+$0x50] =	vst @p1 v9;
	v9 =	vpsel p0, v11, v0;
	v11 =	vpsel p0, v17, v0;
	v10 =	vld.idx.msk @p0 [tilespmem:v10+s2+$0x0], $0xffff  }
0x5a: {  	v4 =	vpsel p1, v26, v4;
	v5 =	vld.idx.msk @p1 [tilespmem:v5+s2+$0x0], $0xffff;
	v17 =	vor.u32 @p0 v2, v11;
	[tilespmem:s4+$0x40] =	vst v55  }
0x5b: {  	s3 =	smov.u32 @p1 s19;
	v4 =	vor.u32 @p1 v3, v4;
	[tilespmem:s4+$0xFFFFFFC0] =	vst v57;
	v6 =	vld.idx.msk [tilespmem:v56+s2+$0x0], $0xffff  }
0x5c: {  	v59 =	vor.u32 v2, v18;
	[tilespmem:s3+$0xFFFFFFD0] =	vst @p1 v7;
	v12 =	vpsel p0, v19, v0;
	v16 =	vld.idx.msk [tilespmem:v58+s2+$0x0], $0xffff  }
0x5d: {  	v60 =	vor.u32 v2, v13;
	[tilespmem:s0+$0x50] =	vst @p0 v12;
	v19 =	vld.idx.msk @p1 [tilespmem:v21+s2+$0x0], $0xffff  }
0x5e: {  	v15 =	vpsel p0, v15, v0;
	v8 =	vor.u32 @p1 v3, v8;
	v9 =	vld.idx.msk @p0 [tilespmem:v9+s2+$0x0], $0xffff;
	[tilespmem:s0+$0xFFFFFFD0] =	vst @p0 v10  }
0x5f: {  	[tilespmem:s3+$0x60] =	vst @p1 v5;
	v5 =	vor.u32 @p0 v3, v15;
	v10 =	vld.idx.msk @p0 [tilespmem:v17+s2+$0x0], $0xffff  }
0x60: {  	v11 =	vor.u32 @p0 v3, v11;
	v4 =	vld.idx.msk @p1 [tilespmem:v4+s2+$0x0], $0xffff;
	[tilespmem:s4+$0x50] =	vst v6  }
0x61: {  	[tilespmem:s4+$0xFFFFFFD0] =	vst v16;
	v6 =	vld.idx.msk [tilespmem:v59+s2+$0x0], $0xffff  }
0x62: {  	v61 =	vor.u32 v3, v18;
	[tilespmem:s3+$0xFFFFFFE0] =	vst @p1 v19;
	v12 =	vld.idx.msk [tilespmem:v60+s2+$0x0], $0xffff  }
0x63: {  	v62 =	vor.u32 v3, v13;
	v8 =	vld.idx.msk @p1 [tilespmem:v8+s2+$0x0], $0xffff;
	[tilespmem:s0+$0x60] =	vst @p0 v9  }
0x64: {  	s1 =	smov.u32 @p2 s1;
	v13 =	vpsel p2, v14, v0;
	v5 =	vld.idx.msk @p0 [tilespmem:v5+s2+$0x0], $0xffff;
	[tilespmem:s0+$0xFFFFFFE0] =	vst @p0 v10  }
0x65: {  	[tilespmem:s1+$0xFFFFFFF0] =	vst @p2 v13;
	v10 =	vld.idx.msk @p0 [tilespmem:v11+s2+$0x0], $0xffff  }
0x66: {  	[tilespmem:s4+$0x60] =	vst v6  }
0x67: {  	[tilespmem:s4+$0xFFFFFFE0] =	vst v12;
	v6 =	vld.idx.msk [tilespmem:v61+s2+$0x0], $0xffff  }
0x68: {  	s1 =	smov.u32 @p1 s3;
	[tilespmem:s3+$0x70] =	vst @p1 v4;
	v4 =	vpsel p1, v8, v0;
	v63 =	vld.idx.msk [tilespmem:v62+s2+$0x0], $0xffff  }
0x69: {  	[tilespmem:s1+$0xFFFFFFF0] =	vst @p1 v4  }
0x6a: {  	[tilespmem:s0+$0x70] =	vst @p0 v5;
	s0 =	smov.u32 @p0 s0;
	v4 =	vpsel p0, v10, v0  }
0x6b: {  	[tilespmem:s0+$0xFFFFFFF0] =	vst @p0 v4  }
0x6c: {  	[tilespmem:s4+$0x70] =	vst v6  }
0x6d: {  	[tilespmem:s4+$0xFFFFFFF0] =	vst v63  }
.LBB2_28:
0x6e: {  	p0 =	sgt.s32 s20, $0x63  }
0x6f: {  	s0 =	sshll.u32 @!p0 s20, $0x1  }
0x70: {  	s0 =	sadd.s32 @!p0 s24, s0  }
0x71: {  	v4 =	vmov @!p0 s0  }
0x72: {  	v4 =	vand.u32 @!p0 $0xFFFFFFFE, v4  }
0x73: {  	v4 =	vbroadcast @!p0 v4, $0x0;
	_ =	sdelay $0x4  }
0x74: {  	s1 =	simm.s32 @!p0 $0x3A00  }
0x75: {  	v4 =	vld.idx.msk @!p0 [tilespmem:v4+s1+$0x0], $0xffff;
	_ =	sdelay $0x4  }
0x76: {  	v5 =	vlaneseq.u32 @!p0;
	v4 =	vshll.u32 @!p0 v4, $0x6  }
0x77: {  	v6 =	vor.u32 @!p0 v5, v4;
	_ =	sdelay $0x3  }
0x78: {  	s3 =	simm.s32 @!p0 $0x0  }
0x79: {  	v7 =	vor.u32 @!p0 $0x10, v5;
	v6 =	vld.idx.msk @!p0 [tilespmem:v6+s3+$0x0], $0xffff  }
0x7a: {  	v8 =	vor.u32 @!p0 v7, v4  }
0x7b: {  	s4 =	sshll.u32 @!p0 s20, $0x9  }
0x7c: {  	s7 =	sshrl.u32 @!p0 s23, $0x2;
	s4 =	sshra.s32 @!p0 s4, $0x2  }
0x7d: {  	s4 =	sadd.s32 @!p0 s4, s7  }
0x7e: {  	[tilespmem:s4+$0x9F00] =	vst @!p0 v6  }
0x7f: {  	v6 =	vld.idx.msk @!p0 [tilespmem:v8+s3+$0x0], $0xffff;
	v8 =	vor.u32 @!p0 $0x20, v5  }
0x80: {  	v9 =	vor.u32 @!p0 v8, v4;
	_ =	sdelay $0x3  }
0x81: {  	[tilespmem:s4+$0x9F10] =	vst @!p0 v6  }
0x82: {  	v6 =	vld.idx.msk @!p0 [tilespmem:v9+s3+$0x0], $0xffff;
	v9 =	vor.u32 @!p0 $0x30, v5  }
0x83: {  	v4 =	vor.u32 @!p0 v9, v4;
	_ =	sdelay $0x3  }
0x84: {  	[tilespmem:s4+$0x9F20] =	vst @!p0 v6  }
0x85: {  	s0 =	sadd.s32 @!p0 $0x1, s0;
	v4 =	vld.idx.msk @!p0 [tilespmem:v4+s3+$0x0], $0xffff  }
0x86: {  	v6 =	vmov @!p0 s0;
	_ =	sdelay $0x3  }
0x87: {  	[tilespmem:s4+$0x9F30] =	vst @!p0 v4  }
0x88: {  	v4 =	vld.idx.msk @!p0 [tilespmem:v6+s1+$0x0], $0xffff;
	_ =	sdelay $0x4  }
0x89: {  	v4 =	vshll.u32 @!p0 v4, $0x6  }
0x8a: {  	v5 =	vor.u32 @!p0 v5, v4;
	_ =	sdelay $0x4  }
0x8b: {  	v5 =	vld.idx.msk @!p0 [tilespmem:v5+s3+$0x0], $0xffff  }
0x8c: {  	v6 =	vor.u32 @!p0 v7, v4;
	_ =	sdelay $0x3  }
0x8d: {  	[tilespmem:s4+$0x9F40] =	vst @!p0 v5  }
0x8e: {  	v5 =	vld.idx.msk @!p0 [tilespmem:v6+s3+$0x0], $0xffff  }
0x8f: {  	v6 =	vor.u32 @!p0 v8, v4;
	_ =	sdelay $0x3  }
0x90: {  	[tilespmem:s4+$0x9F50] =	vst @!p0 v5  }
0x91: {  	v5 =	vld.idx.msk @!p0 [tilespmem:v6+s3+$0x0], $0xffff  }
0x92: {  	v4 =	vor.u32 @!p0 v9, v4;
	_ =	sdelay $0x3  }
0x93: {  	[tilespmem:s4+$0x9F60] =	vst @!p0 v5  }
0x94: {  	v4 =	vld.idx.msk @!p0 [tilespmem:v4+s3+$0x0], $0xffff;
	_ =	sdelay $0x3  }
0x95: {  	s30 =	sadd.s32 s6, s18;
	s18 =	sadd.s32 $0x1, s18  }
0x96: {  	[tilespmem:s4+$0x9F70] =	vst @!p0 v4;
	p0 =	sne.s32 s18, $0x80  }
.Ltmp3:
0x97: {  	_ = 	snop;
	(pc) =	sbr.rel @!p0 .LBB2_29-.Ltmp3, $4  }
0x98: {  	s0 =	smul.u32 $0x680, s30  }
0x99: {  	s31 =	sadd.s32 $0x9F00, s21  }
0x9a: {  	s17 =	sadd.s32 $0xC8, s17;
	s16 =	sadd.s32 $0x1, s16;
	s0 =	sadd.s32 s5, s0  }
0x9b: {  	[hbm4b:s0+s2] =	stream.linear.scatter [tilespmem:s31], [sflag:$0x1], $0x3200, $0x38;
	[tilespmem:$0x16F00] =	vst v63  }
.LBB2_2:
0x9c: {  	v4 =	vld [tilespmem:s18+$0x9E00];
	_ =	sdelay $0x4  }
0x9d: {  	(v2sf) =	vpush v4, $0x0;
	_ =	sdelay $0xe  }
0x9e: {  	s20 =	spop (v2sf)  }
0x9f: {  	s22 =	sshra.s32 s20, $0x1;
	s0 =	sshrl.u32 s20, $0x1F  }
0xa0: {  	s0 =	sadd.s32 s0, s22  }
0xa1: {  	s25 =	sand.u32 $0xFFFFFFFE, s0  }
0xa2: {  	p1 =	slt.s32 s25, $0x1  }
.Ltmp4:
0xa3: {  	p0 =	slt.u32 s18, $0x4;
	(pc) =	sbr.rel @p1 .LBB2_5-.Ltmp4, $4  }
0xa4: {  	s1 =	simm.s32 @!p0 $0x1  }
0xa5: {  	_ =	swait.ge @!p0 [sflag:s1], $0x3200  }
0xa6: {  	s31 =	sand.u32 $0x3, s16;
	[sflag:s1] =	ssyncset.done @!p0 $0x0  }
0xa7: {  	s19 =	smul.u32 $0xD000, s31;
	[sflag:s1] =	ssyncadd.s32 @!p0 $0xFFFFCE00  }
0xa8: {  	s24 =	sadd.s32 $0x2, s17  }
0xa9: {  	v4 =	vmov s24  }
0xaa: {  	v4 =	vand.u32 $0xFFFFFFFE, v4  }
0xab: {  	v5 =	vmov s17;
	v4 =	vbroadcast v4, $0x0  }
0xac: {  	v5 =	vand.u32 $0xFFFFFFFC, v5  }
0xad: {  	v5 =	vbroadcast v5, $0x0;
	_ =	sdelay $0x3  }
0xae: {  	v4 =	vld.idx.msk [tilespmem:v4+s12+$0x0], $0xffff;
	_ =	sdelay $0x1  }
0xaf: {  	v5 =	vld.idx.msk [tilespmem:v5+s12+$0x0], $0xffff;
	_ =	sdelay $0x2  }
0xb0: {  	v4 =	vshll.u32 v4, $0x6  }
0xb1: {  	v6 =	vor.u32 v0, v4  }
0xb2: {  	v7 =	vshll.u32 v5, $0x6  }
0xb3: {  	v5 =	vor.u32 v0, v7  }
0xb4: {  	s23 =	simm.s32 $0x620  }
0xb5: {  	v8 =	vld [tilespmem:s23+$0x20]  }
0xb6: {  	v6 =	vld.idx.msk [tilespmem:v6+s2+$0x0], $0xffff  }
0xb7: {  	v9 =	vld [tilespmem:s23+$0xFFFFFFA0]  }
0xb8: {  	v5 =	vld.idx.msk [tilespmem:v5+s2+$0x0], $0xffff;
	_ =	sdelay $0x1  }
0xb9: {  	p3 =	sgt.s32 s25, $0x2;
	v10 =	vor.u32 v1, v4  }
.Ltmp5:
0xba: {  	s0 =	sshrl.u32 s19, $0x2;
	v6 =	vadd.f32 v8, v6;
	(pc) =	sbr.rel @!p3 .LBB2_4-.Ltmp5, $4  }
0xbb: {  	s31 =	simm.s32 $0xC0;
	s26 =	sadd.s32 $0x1, s17;
	s7 =	sadd.s32 $0x9F80, s0  }
0xbc: {  	s3 =	simm.s32 $0x40;
	s30 =	sadd.s32 $0x4, s17;
	s28 =	sor.u32 $0x50, s31;
	v8 =	vmov s26;
	[tilespmem:s7+$0x0] =	vst v6;
	v6 =	vadd.f32 v9, v5  }
0xbd: {  	p0 =	por $0x0, $0x0;
	p1 =	por $0x0, $0x0;
	p2 =	por $0x0, $0x0;
	v15 =	vor.u32 v1, v7;
	v11 =	vor.u32 v2, v7;
	v5 =	vand.u32 $0xFFFFFFFD, v8;
	v19 =	vld [tilespmem:s28+$0x580]  }
0xbe: {  	s4 =	sor.u32 $0x50, s3;
	s1 =	sor.u32 $0x60, s3;
	s29 =	sor.u32 $0x70, s3;
	v17 =	vor.u32 v3, v7;
	v24 =	vor.u32 v2, v4;
	v5 =	vbroadcast v5, $0x0;
	v16 =	vld.idx.msk [tilespmem:v10+s2+$0x0], $0xffff;
	[tilespmem:s7+$0xFFFFFF80] =	vst v6  }
0xbf: {  	_ =	sdelay $0x3  }
0xc0: {  	s0 =	sadd.s32 $0x2, s30;
	v6 =	vadd.f32 v19, v16  }
0xc1: {  	v7 =	vmov s0  }
0xc2: {  	v7 =	vand.u32 $0xFFFFFFFE, v7;
	[tilespmem:s7+$0x10] =	vst v6  }
0xc3: {  	s14 =	sor.u32 $0x60, s31;
	v6 =	vbroadcast v7, $0x0;
	v7 =	vld.idx.msk [tilespmem:v24+s2+$0x0], $0xffff  }
0xc4: {  	v8 =	vld [tilespmem:s14+$0x580];
	_ =	sdelay $0x2  }
0xc5: {  	v9 =	vmov s30;
	v4 =	vor.u32 v3, v4  }
0xc6: {  	v10 =	vld.idx.msk [tilespmem:v15+s2+$0x0], $0xffff;
	v9 =	vand.u32 $0xFFFFFFFC, v9  }
0xc7: {  	v9 =	vbroadcast v9, $0x0;
	v6 =	vld.idx.msk [tilespmem:v6+s12+$0x0], $0xffff;
	v7 =	vadd.f32 v8, v7  }
0xc8: {  	v8 =	vld [tilespmem:s4+$0x580]  }
0xc9: {  	[tilespmem:s7+$0x20] =	vst v7  }
0xca: {  	s21 =	sor.u32 $0x70, s31;
	v7 =	vld.idx.msk [tilespmem:v4+s2+$0x0], $0xffff  }
0xcb: {  	v12 =	vld [tilespmem:s21+$0x580]  }
0xcc: {  	v4 =	vshll.u32 v6, $0x6  }
0xcd: {  	s24 =	sadd.s32 $0x3, s17;
	v9 =	vld.idx.msk [tilespmem:v9+s12+$0x0], $0xffff;
	v6 =	vadd.f32 v8, v10;
	v8 =	vor.u32 v0, v4  }
0xce: {  	v10 =	vmov s24  }
0xcf: {  	[tilespmem:s7+$0xFFFFFF90] =	vst v6  }
0xd0: {  	v6 =	vld.idx.msk [tilespmem:v11+s2+$0x0], $0xffff;
	v7 =	vadd.f32 v12, v7  }
0xd1: {  	v11 =	vld [tilespmem:s1+$0x580]  }
0xd2: {  	v9 =	vshll.u32 v9, $0x6;
	[tilespmem:s7+$0x30] =	vst v7;
	v8 =	vld.idx.msk [tilespmem:v8+s2+$0x0], $0xffff  }
0xd3: {  	s3 =	simm.s32 $0x720;
	v12 =	vor.u32 v0, v9;
	v7 =	vld.idx.msk [tilespmem:v10+s12+$0x0], $0xffff  }
0xd4: {  	v10 =	vld [tilespmem:s3+$0x20];
	_ =	sdelay $0x1  }
0xd5: {  	v6 =	vadd.f32 v11, v6  }
0xd6: {  	v13 =	vld [tilespmem:s3+$0xFFFFFFA0]  }
0xd7: {  	v11 =	vld.idx.msk [tilespmem:v12+s2+$0x0], $0xffff;
	v12 =	vor.u32 v1, v4;
	[tilespmem:s7+$0xFFFFFFA0] =	vst v6  }
0xd8: {  	v6 =	vshll.u32 v7, $0x6;
	v7 =	vadd.f32 v10, v8;
	v8 =	vld.idx.msk [tilespmem:v17+s2+$0x0], $0xffff  }
0xd9: {  	p3 =	sgt.s32 s25, $0x4;
	v14 =	vld [tilespmem:s29+$0x580];
	v10 =	vor.u32 v0, v6  }
.Ltmp6:
0xda: {  	s24 =	sadd.s32 $0x100, s7;
	(pc) =	sbr.rel @!p3 .LBB2_9-.Ltmp6, $4  }
0xdb: {  	s26 =	sadd.s32 $0x1, s30;
	s31 =	simm.s32 $0x1C0;
	v21 =	vld [tilespmem:s23+$0x60];
	[tilespmem:s24+$0x0] =	vst v7  }
0xdc: {  	s28 =	sor.u32 $0x50, s31;
	v15 =	vor.u32 v1, v9;
	v7 =	vmov s26;
	v13 =	vadd.f32 v13, v11;
	v16 =	vld.idx.msk [tilespmem:v12+s2+$0x0], $0xffff  }
0xdd: {  	s8 =	simm.s32 $0x140;
	s9 =	sadd.s32 $0x4, s30;
	p0 =	por $0x1, $0x1;
	v24 =	vor.u32 v2, v4;
	v17 =	vor.u32 v3, v9;
	v7 =	vand.u32 $0xFFFFFFFD, v7;
	v19 =	vld [tilespmem:s28+$0x580]  }
0xde: {  	s4 =	sor.u32 $0x50, s8;
	s1 =	sor.u32 $0x60, s8;
	s29 =	sor.u32 $0x70, s8;
	v11 =	vor.u32 v2, v9;
	v12 =	vbroadcast v7, $0x0;
	[tilespmem:s24+$0xFFFFFF80] =	vst v13;
	v23 =	vadd.f32 v14, v8;
	v18 =	vld.idx.msk [tilespmem:v10+s2+$0x0], $0xffff  }
0xdf: {  	_ =	sdelay $0x1  }
0xe0: {  	s0 =	sadd.s32 $0x2, s9  }
0xe1: {  	v9 =	vor.u32 v1, v6;
	v8 =	vmov s0;
	v7 =	vadd.f32 v19, v16  }
0xe2: {  	v10 =	vld.idx.msk [tilespmem:v15+s2+$0x0], $0xffff;
	[tilespmem:s7+$0xFFFFFFB0] =	vst v23;
	v8 =	vand.u32 $0xFFFFFFFE, v8  }
0xe3: {  	v5 =	vld.idx.msk [tilespmem:v5+s12+$0x0], $0xffff;
	v8 =	vbroadcast v8, $0x0;
	v14 =	vadd.f32 v21, v18;
	[tilespmem:s24+$0x10] =	vst v7  }
0xe4: {  	s13 =	sor.u32 $0x60, s31;
	v7 =	vmov s9;
	v13 =	vld.idx.msk [tilespmem:v24+s2+$0x0], $0xffff  }
0xe5: {  	v7 =	vand.u32 $0xFFFFFFFC, v7;
	v15 =	vld [tilespmem:s13+$0x580];
	[tilespmem:s7+$0x40] =	vst v14  }
0xe6: {  	v7 =	vbroadcast v7, $0x0;
	v9 =	vld.idx.msk [tilespmem:v9+s2+$0x0], $0xffff  }
0xe7: {  	v14 =	vld [tilespmem:s23+$0x70]  }
0xe8: {  	v4 =	vor.u32 v3, v4;
	v16 =	vld [tilespmem:s4+$0x580]  }
0xe9: {  	v8 =	vld.idx.msk [tilespmem:v8+s12+$0x0], $0xffff  }
0xea: {  	v13 =	vadd.f32 v15, v13;
	v15 =	vor.u32 v2, v6  }
0xeb: {  	v18 =	vld [tilespmem:s23+$0xFFFFFFE0]  }
0xec: {  	v9 =	vadd.f32 v14, v9;
	v7 =	vld.idx.msk [tilespmem:v7+s12+$0x0], $0xffff;
	[tilespmem:s24+$0x20] =	vst v13  }
0xed: {  	s14 =	sor.u32 $0x70, s31;
	v5 =	vshll.u32 v5, $0x6;
	v13 =	vld.idx.msk [tilespmem:v4+s2+$0x0], $0xffff  }
0xee: {  	v10 =	vadd.f32 v16, v10;
	v16 =	vor.u32 v0, v5;
	v14 =	vld [tilespmem:s14+$0x580];
	v4 =	vshll.u32 v8, $0x6;
	[tilespmem:s7+$0x50] =	vst v9  }
0xef: {  	v8 =	vor.u32 v0, v4;
	v9 =	vld.idx.msk [tilespmem:v15+s2+$0x0], $0xffff  }
0xf0: {  	s21 =	sadd.s32 $0x3, s30;
	[tilespmem:s24+$0xFFFFFF90] =	vst v10;
	v15 =	vld [tilespmem:s23+$0x80]  }
0xf1: {  	v10 =	vmov s21;
	v11 =	vld.idx.msk [tilespmem:v11+s2+$0x0], $0xffff;
	v20 =	vshll.u32 v7, $0x6  }
0xf2: {  	v7 =	vld [tilespmem:s1+$0x580];
	v19 =	vor.u32 v0, v20  }
0xf3: {  	v6 =	vor.u32 v3, v6;
	v13 =	vadd.f32 v14, v13;
	v14 =	vld.idx.msk [tilespmem:v16+s2+$0x0], $0xffff  }
0xf4: {  	s0 =	simm.s32 $0x820;
	v8 =	vld.idx.msk [tilespmem:v8+s2+$0x0], $0xffff  }
0xf5: {  	[tilespmem:s24+$0x30] =	vst v13;
	v9 =	vadd.f32 v15, v9;
	v13 =	vld [tilespmem:s0+$0x20]  }
0xf6: {  	v10 =	vld.idx.msk [tilespmem:v10+s12+$0x0], $0xffff  }
0xf7: {  	[tilespmem:s7+$0x60] =	vst v9;
	v15 =	vld.idx.msk [tilespmem:v19+s2+$0x0], $0xffff  }
0xf8: {  	v9 =	vor.u32 v1, v5;
	v7 =	vadd.f32 v7, v11;
	v11 =	vld.idx.msk [tilespmem:v6+s2+$0x0], $0xffff  }
0xf9: {  	v19 =	vld [tilespmem:s23+$0x90]  }
0xfa: {  	v16 =	vor.u32 v1, v4;
	[tilespmem:s24+$0xFFFFFFA0] =	vst v7;
	v7 =	vadd.f32 v18, v14;
	v14 =	vld [tilespmem:s0+$0xFFFFFFA0]  }
0xfb: {  	v8 =	vadd.f32 v13, v8;
	v13 =	vld.idx.msk [tilespmem:v17+s2+$0x0], $0xffff  }
0xfc: {  	s11 =	sadd.s32 $0x100, s24;
	s26 =	sadd.s32 $0x1, s9;
	v21 =	vld [tilespmem:s29+$0x580];
	v6 =	vshll.u32 v10, $0x6;
	[tilespmem:s7+$0xFFFFFFC0] =	vst v7  }
0xfd: {  	p3 =	sgt.s32 s25, $0x6;
	v7 =	vmov s26;
	v17 =	vor.u32 v0, v6;
	[tilespmem:s11+$0x0] =	vst v8;
	v8 =	vld.idx.msk [tilespmem:v9+s2+$0x0], $0xffff  }
.Ltmp7:
0xfe: {  	s31 =	simm.s32 $0x2C0;
	v10 =	vor.u32 v2, v5;
	v18 =	vand.u32 $0xFFFFFFFD, v7;
	v9 =	vld [tilespmem:s23+$0xFFFFFFF0];
	(pc) =	sbr.rel @!p3 .LBB2_11-.Ltmp7, $4  }
0xff: {  	s28 =	sor.u32 $0x50, s31;
	v7 =	vor.u32 v3, v5;
	v16 =	vld.idx.msk [tilespmem:v16+s2+$0x0], $0xffff;
	v22 =	vadd.f32 v19, v11;
	v5 =	vbroadcast v18, $0x0  }
0x100: {  	v19 =	vld [tilespmem:s28+$0x580];
	v14 =	vadd.f32 v14, v15  }
0x101: {  	s8 =	simm.s32 $0x240;
	s30 =	sadd.s32 $0x4, s9;
	p1 =	por $0x1, $0x1;
	v24 =	vor.u32 v2, v4;
	v11 =	vor.u32 v2, v20;
	[tilespmem:s7+$0x70] =	vst v22;
	v23 =	vadd.f32 v21, v13;
	v21 =	vld [tilespmem:s3+$0x60]  }
0x102: {  	s4 =	sor.u32 $0x50, s8;
	s1 =	sor.u32 $0x60, s8;
	s29 =	sor.u32 $0x70, s8;
	v15 =	vor.u32 v1, v20;
	[tilespmem:s11+$0xFFFFFF80] =	vst v14;
	v18 =	vld.idx.msk [tilespmem:v17+s2+$0x0], $0xffff;
	v17 =	vor.u32 v3, v20  }
0x103: {  	_ =	sdelay $0x2  }
0x104: {  	s8 =	sadd.s32 $0x2, s30;
	v13 =	vadd.f32 v19, v16  }
0x105: {  	v14 =	vld.idx.msk [tilespmem:v15+s2+$0x0], $0xffff;
	v15 =	vmov s8  }
0x106: {  	v16 =	vor.u32 v1, v6;
	v19 =	vld [tilespmem:s4+$0x580];
	v15 =	vand.u32 $0xFFFFFFFE, v15;
	[tilespmem:s11+$0x10] =	vst v13  }
0x107: {  	s26 =	sor.u32 $0x60, s31;
	v15 =	vbroadcast v15, $0x0;
	v20 =	vld.idx.msk [tilespmem:v24+s2+$0x0], $0xffff  }
0x108: {  	[tilespmem:s24+$0xFFFFFFB0] =	vst v23;
	v18 =	vadd.f32 v21, v18;
	v21 =	vld [tilespmem:s26+$0x580]  }
0x109: {  	v12 =	vld.idx.msk [tilespmem:v12+s12+$0x0], $0xffff  }
0x10a: {  	v23 =	vld [tilespmem:s3+$0xFFFFFFE0];
	v13 =	vmov s30;
	[tilespmem:s24+$0x40] =	vst v18  }
0x10b: {  	v4 =	vor.u32 v3, v4;
	v13 =	vand.u32 $0xFFFFFFFC, v13;
	v18 =	vadd.f32 v9, v8;
	v16 =	vld.idx.msk [tilespmem:v16+s2+$0x0], $0xffff  }
0x10c: {  	v13 =	vbroadcast v13, $0x0;
	v22 =	vld [tilespmem:s3+$0x70];
	v14 =	vadd.f32 v19, v14  }
0x10d: {  	[tilespmem:s7+$0xFFFFFFD0] =	vst v18;
	v15 =	vld.idx.msk [tilespmem:v15+s12+$0x0], $0xffff;
	v18 =	vadd.f32 v21, v20  }
0x10e: {  	[tilespmem:s11+$0xFFFFFF90] =	vst v14;
	v21 =	vld.idx.msk [tilespmem:v10+s2+$0x0], $0xffff  }
0x10f: {  	v20 =	vor.u32 v2, v6;
	v11 =	vld.idx.msk [tilespmem:v11+s2+$0x0], $0xffff;
	[tilespmem:s11+$0x20] =	vst v18  }
0x110: {  	s8 =	sor.u32 $0x70, s31;
	v12 =	vshll.u32 v12, $0x6;
	v18 =	vld.idx.msk [tilespmem:v4+s2+$0x0], $0xffff  }
0x111: {  	v14 =	vor.u32 v0, v12;
	v16 =	vadd.f32 v22, v16;
	v19 =	vld [tilespmem:s8+$0x580]  }
0x112: {  	v13 =	vld.idx.msk [tilespmem:v13+s12+$0x0], $0xffff;
	v4 =	vshll.u32 v15, $0x6  }
0x113: {  	s10 =	sadd.s32 $0x3, s9;
	v24 =	vld [tilespmem:s1+$0x580];
	[tilespmem:s24+$0x50] =	vst v16;
	v15 =	vor.u32 v0, v4  }
0x114: {  	v16 =	vld.idx.msk [tilespmem:v20+s2+$0x0], $0xffff;
	v20 =	vmov s10  }
0x115: {  	v22 =	vld [tilespmem:s3+$0x80]  }
0x116: {  	v14 =	vld.idx.msk [tilespmem:v14+s2+$0x0], $0xffff;
	v18 =	vadd.f32 v19, v18  }
0x117: {  	v13 =	vshll.u32 v13, $0x6;
	v19 =	vld [tilespmem:s23+$0x0]  }
0x118: {  	v11 =	vadd.f32 v24, v11;
	v25 =	vor.u32 v0, v13;
	v15 =	vld.idx.msk [tilespmem:v15+s2+$0x0], $0xffff;
	[tilespmem:s11+$0x30] =	vst v18  }
0x119: {  	s26 =	simm.s32 $0x920;
	v6 =	vor.u32 v3, v6;
	v18 =	vld.idx.msk [tilespmem:v20+s12+$0x0], $0xffff  }
0x11a: {  	[tilespmem:s11+$0xFFFFFFA0] =	vst v11;
	v16 =	vadd.f32 v22, v16;
	v20 =	vld [tilespmem:s26+$0x20]  }
0x11b: {  	v27 =	vld.idx.msk [tilespmem:v17+s2+$0x0], $0xffff  }
0x11c: {  	v11 =	vadd.f32 v23, v14;
	v23 =	vld [tilespmem:s26+$0xFFFFFFA0];
	[tilespmem:s24+$0x60] =	vst v16;
	v16 =	vor.u32 v1, v12  }
0x11d: {  	v22 =	vld.idx.msk [tilespmem:v25+s2+$0x0], $0xffff;
	v25 =	vor.u32 v1, v4  }
0x11e: {  	v24 =	vld.idx.msk [tilespmem:v6+s2+$0x0], $0xffff  }
0x11f: {  	v26 =	vld [tilespmem:s3+$0x90];
	v14 =	vadd.f32 v20, v15  }
0x120: {  	s28 =	sadd.s32 $0x100, s11;
	v28 =	vld [tilespmem:s29+$0x580];
	[tilespmem:s24+$0xFFFFFFC0] =	vst v11;
	v6 =	vshll.u32 v18, $0x6;
	v15 =	vadd.f32 v19, v21  }
0x121: {  	s13 =	sadd.s32 $0x1, s30;
	p3 =	sgt.s32 s25, $0x8;
	s31 =	simm.s32 $0x3C0;
	v17 =	vor.u32 v0, v6;
	v20 =	vld.idx.msk [tilespmem:v16+s2+$0x0], $0xffff;
	[tilespmem:s28+$0x0] =	vst v14  }
.Ltmp8:
0x122: {  	s14 =	sor.u32 $0x50, s31;
	v11 =	vmov s13;
	[tilespmem:s7+$0xFFFFFFE0] =	vst v15;
	v15 =	vor.u32 v1, v13;
	v16 =	vld.idx.msk [tilespmem:v25+s2+$0x0], $0xffff;
	(pc) =	sbr.rel @!p3 .LBB2_13-.Ltmp8, $4  }
0x123: {  	v11 =	vand.u32 $0xFFFFFFFD, v11;
	v21 =	vadd.f32 v23, v22;
	v19 =	vld [tilespmem:s14+$0x580]  }
0x124: {  	s21 =	simm.s32 $0x340;
	s9 =	sadd.s32 $0x4, s30;
	p2 =	por $0x1, $0x1;
	v18 =	vadd.f32 v26, v24;
	v14 =	vor.u32 v2, v12;
	v12 =	vor.u32 v3, v12;
	v25 =	vld [tilespmem:s3+$0xFFFFFFF0]  }
0x125: {  	s4 =	sor.u32 $0x50, s21;
	s1 =	sor.u32 $0x60, s21;
	s8 =	simm.s32 $0x8;
	v22 =	vbroadcast v11, $0x0;
	v11 =	vor.u32 v2, v13;
	v23 =	vadd.f32 v28, v27;
	[tilespmem:s28+$0xFFFFFF80] =	vst v21;
	v21 =	vld [tilespmem:s0+$0x60]  }
0x126: {  	s29 =	sor.u32 $0x70, s21;
	s21 =	smov.u32 s7;
	s13 =	simm.s32 $0x620;
	v24 =	vor.u32 v2, v4;
	[tilespmem:s24+$0x70] =	vst v18;
	v18 =	vld.idx.msk [tilespmem:v17+s2+$0x0], $0xffff;
	v17 =	vor.u32 v3, v13;
	v13 =	vmov v7  }
.LBB2_14:
0x127: {  	v26 =	vmov s9;
	s10 =	sadd.s32 $0x1, s9;
	s14 =	sadd.s32 $0x2, s9;
	v15 =	vld.idx.msk [tilespmem:v15+s2+$0x0], $0xffff;
	[tilespmem:s11+$0xFFFFFFB0] =	vst v23  }
0x128: {  	s8 =	sadd.s32 $0x2, s8;
	v23 =	vand.u32 $0xFFFFFFFC, v26;
	v26 =	vmov s14;
	v27 =	vld [tilespmem:s4+$0x580];
	v16 =	vadd.f32 v19, v16  }
0x129: {  	v28 =	vor.u32 v1, v6;
	p3 =	slt.s32 s8, s25;
	v19 =	vbroadcast v23, $0x0;
	v23 =	vand.u32 $0xFFFFFFFE, v26;
	v26 =	vld.idx.msk [tilespmem:v5+s12+$0x0], $0xffff;
	v5 =	vmovc v22  }
0x12a: {  	v22 =	vmov s10;
	v20 =	vadd.f32 v25, v20;
	v23 =	vbroadcast v23, $0x0;
	[tilespmem:s28+$0x10] =	vst v16;
	v16 =	vld [tilespmem:s0+$0xFFFFFFE0]  }
0x12b: {  	s4 =	sor.u32 $0x60, s31;
	v22 =	vand.u32 $0xFFFFFFFD, v22;
	v24 =	vld.idx.msk [tilespmem:v24+s2+$0x0], $0xffff;
	v18 =	vadd.f32 v21, v18  }
0x12c: {  	v22 =	vbroadcast v22, $0x0;
	v21 =	vld [tilespmem:s4+$0x580];
	[tilespmem:s24+$0xFFFFFFD0] =	vst v20  }
0x12d: {  	v15 =	vadd.f32 v27, v15;
	[tilespmem:s11+$0x40] =	vst v18;
	v18 =	vld.idx.msk [tilespmem:v14+s2+$0x0], $0xffff  }
0x12e: {  	v20 =	vld.idx.msk [tilespmem:v28+s2+$0x0], $0xffff  }
0x12f: {  	v4 =	vor.u32 v3, v4;
	[tilespmem:s28+$0xFFFFFF90] =	vst v15;
	v15 =	vshll.u32 v26, $0x6;
	v25 =	vld [tilespmem:s0+$0x70]  }
0x130: {  	v23 =	vld.idx.msk [tilespmem:v23+s12+$0x0], $0xffff;
	v26 =	vor.u32 v0, v15;
	v27 =	vor.u32 v1, v15;
	v14 =	vor.u32 v2, v15  }
0x131: {  	v19 =	vld.idx.msk [tilespmem:v19+s12+$0x0], $0xffff;
	v21 =	vadd.f32 v21, v24;
	v24 =	vor.u32 v3, v15  }
0x132: {  	v28 =	vld.idx.msk [tilespmem:v11+s2+$0x0], $0xffff;
	v11 =	vor.u32 v2, v6  }
0x133: {  	v29 =	vld [tilespmem:s1+$0x580];
	[tilespmem:s28+$0x20] =	vst v21  }
0x134: {  	s1 =	sor.u32 $0x70, s31;
	v21 =	vld.idx.msk [tilespmem:v4+s2+$0x0], $0xffff;
	v15 =	vadd.f32 v25, v20  }
0x135: {  	v20 =	vld [tilespmem:s1+$0x580]  }
0x136: {  	v4 =	vshll.u32 v23, $0x6;
	v23 =	vld.idx.msk [tilespmem:v26+s2+$0x0], $0xffff;
	[tilespmem:s11+$0x50] =	vst v15  }
0x137: {  	s1 =	sadd.s32 $0x3, s30;
	s30 =	smov.u32 s9;
	v19 =	vshll.u32 v19, $0x6;
	v25 =	vor.u32 v0, v4;
	v26 =	vld.idx.msk [tilespmem:v11+s2+$0x0], $0xffff  }
0x138: {  	v31 =	vmov s1;
	v30 =	vor.u32 v0, v19;
	v15 =	vor.u32 v1, v19;
	v32 =	vld [tilespmem:s0+$0x80]  }
0x139: {  	v11 =	vor.u32 v2, v19;
	v19 =	vor.u32 v3, v19;
	v28 =	vadd.f32 v29, v28;
	v29 =	vld [tilespmem:s3+$0x0]  }
0x13a: {  	v20 =	vadd.f32 v20, v21;
	v21 =	vld.idx.msk [tilespmem:v13+s2+$0x0], $0xffff;
	v13 =	vmov v12;
	v12 =	vmov v24  }
0x13b: {  	v6 =	vor.u32 v3, v6;
	[tilespmem:s28+$0xFFFFFFA0] =	vst v28;
	v24 =	vld [tilespmem:s13+$0x10];
	s13 =	smov.u32 s3;
	s3 =	smov.u32 s0;
	s0 =	smov.u32 s26  }
0x13c: {  	v16 =	vadd.f32 v16, v23;
	v25 =	vld.idx.msk [tilespmem:v25+s2+$0x0], $0xffff;
	[tilespmem:s28+$0x30] =	vst v20  }
0x13d: {  	s26 =	sadd.s32 $0x100, s26;
	v20 =	vld.idx.msk [tilespmem:v31+s12+$0x0], $0xffff;
	v23 =	vadd.f32 v32, v26  }
0x13e: {  	v26 =	vld [tilespmem:s26+$0x20];
	[tilespmem:s11+$0xFFFFFFC0] =	vst v16;
	v16 =	vadd.f32 v29, v18  }
0x13f: {  	v18 =	vld.idx.msk [tilespmem:v30+s2+$0x0], $0xffff;
	[tilespmem:s11+$0x60] =	vst v23  }
0x140: {  	v23 =	vld.idx.msk [tilespmem:v6+s2+$0x0], $0xffff;
	[tilespmem:s24+$0xFFFFFFE0] =	vst v16;
	v6 =	vadd.f32 v24, v21  }
0x141: {  	v16 =	vor.u32 v1, v4;
	v21 =	vld [tilespmem:s3+$0x90]  }
0x142: {  	v24 =	vld [tilespmem:s26+$0xFFFFFFA0];
	[tilespmem:s21+$0xFFFFFFF0] =	vst v6;
	s21 =	smov.u32 s24;
	s24 =	smov.u32 s11;
	s11 =	smov.u32 s28  }
0x143: {  	v6 =	vshll.u32 v20, $0x6;
	v25 =	vadd.f32 v26, v25;
	v26 =	vld.idx.msk [tilespmem:v17+s2+$0x0], $0xffff;
	v17 =	vmov v19  }
0x144: {  	s28 =	sadd.s32 $0x100, s28;
	v29 =	vor.u32 v0, v6;
	v28 =	vld [tilespmem:s29+$0x580]  }
0x145: {  	s31 =	sadd.s32 $0x100, s31;
	[tilespmem:s28+$0x0] =	vst v25;
	v20 =	vld.idx.msk [tilespmem:v27+s2+$0x0], $0xffff  }
.Ltmp9:
0x146: {  	s10 =	sadd.s32 $0xFFFFFF80, s31;
	s14 =	sor.u32 $0x50, s31;
	v16 =	vld.idx.msk [tilespmem:v16+s2+$0x0], $0xffff;
	v21 =	vadd.f32 v21, v23;
	(pc) =	sbr.rel @p3 .LBB2_14-.Ltmp9, $4  }
0x147: {  	s4 =	sor.u32 $0x50, s10;
	s1 =	sor.u32 $0x60, s10;
	s29 =	sor.u32 $0x70, s10;
	v18 =	vadd.f32 v24, v18;
	v19 =	vld [tilespmem:s14+$0x580]  }
0x148: {  	v25 =	vld [tilespmem:s3+$0xFFFFFFF0];
	[tilespmem:s24+$0x70] =	vst v21  }
0x149: {  	[tilespmem:s28+$0xFFFFFF80] =	vst v18;
	v23 =	vadd.f32 v28, v26;
	v18 =	vld.idx.msk [tilespmem:v29+s2+$0x0], $0xffff  }
0x14a: {  	s9 =	sadd.s32 $0x4, s9;
	v24 =	vor.u32 v2, v4;
	v21 =	vld [tilespmem:s0+$0x60]  }
0x14b: {  	s8 =	smov.u32 s11  }
0x14c: {  	v26 =	vmov v5;
	s9 =	smov.u32 s3;
	v5 =	vmov v22;
	s11 =	smov.u32 s28;
	s3 =	smov.u32 s26  }
.LBB2_16:
0x14d: {  	_ =	sdelay $0x3  }
0x14e: {  	v15 =	vld.idx.msk [tilespmem:v15+s2+$0x0], $0xffff  }
0x14f: {  	v44 =	vld [tilespmem:s4+$0x580];
	_ =	sdelay $0x2  }
0x150: {  	v16 =	vadd.f32 v19, v16;
	_ =	sdelay $0x1  }
0x151: {  	[tilespmem:s11+$0x10] =	vst v16;
	v15 =	vadd.f32 v44, v15  }
0x152: {  	s26 =	sor.u32 $0x60, s31;
	v16 =	vld.idx.msk [tilespmem:v24+s2+$0x0], $0xffff  }
0x153: {  	v22 =	vld [tilespmem:s26+$0x580];
	[tilespmem:s11+$0xFFFFFF90] =	vst v15  }
0x154: {  	v11 =	vld.idx.msk [tilespmem:v11+s2+$0x0], $0xffff  }
0x155: {  	v46 =	vld [tilespmem:s1+$0x580]  }
0x156: {  	v4 =	vor.u32 v3, v4;
	_ =	sdelay $0x1  }
0x157: {  	v45 =	vadd.f32 v22, v16;
	_ =	sdelay $0x1  }
0x158: {  	[tilespmem:s11+$0x20] =	vst v45;
	v11 =	vadd.f32 v46, v11  }
0x159: {  	s28 =	sor.u32 $0x70, s31;
	v4 =	vld.idx.msk [tilespmem:v4+s2+$0x0], $0xffff  }
0x15a: {  	v15 =	vld [tilespmem:s28+$0x580];
	[tilespmem:s11+$0xFFFFFFA0] =	vst v11  }
0x15b: {  	v11 =	vld.idx.msk [tilespmem:v17+s2+$0x0], $0xffff  }
0x15c: {  	s31 =	sadd.s32 $0x3, s30;
	v48 =	vld [tilespmem:s29+$0x580]  }
0x15d: {  	v47 =	vmov s31  }
0x15e: {  	[tilespmem:s8+$0xFFFFFFB0] =	vst @p0 v23  }
0x15f: {  	v4 =	vadd.f32 v15, v4;
	v17 =	vld.idx.msk @p0 [tilespmem:v26+s12+$0x0], $0xffff;
	_ =	sdelay $0x1  }
0x160: {  	[tilespmem:s11+$0x30] =	vst v4;
	v11 =	vadd.f32 v48, v11  }
0x161: {  	v15 =	vor.u32 @p0 v1, v6;
	v4 =	vld.idx.msk [tilespmem:v47+s12+$0x0], $0xffff  }
0x162: {  	[tilespmem:s11+$0xFFFFFFB0] =	vst v11  }
0x163: {  	v16 =	vshll.u32 @p0 v17, $0x6;
	v11 =	vadd.f32 @p0 v21, v18;
	v5 =	vld.idx.msk [tilespmem:v5+s12+$0x0], $0xffff  }
0x164: {  	v17 =	vor.u32 @p0 v0, v16  }
0x165: {  	[tilespmem:s8+$0x40] =	vst @p0 v11  }
0x166: {  	v4 =	vshll.u32 v4, $0x6;
	v11 =	vld.idx.msk @p0 [tilespmem:v15+s2+$0x0], $0xffff  }
0x167: {  	v20 =	vadd.f32 @p1 v25, v20;
	v49 =	vor.u32 v0, v4;
	v15 =	vld @p0 [tilespmem:s0+$0x70]  }
0x168: {  	v19 =	vld @p0 [tilespmem:s0+$0xFFFFFFE0];
	v5 =	vshll.u32 v5, $0x6  }
0x169: {  	[tilespmem:s24+$0xFFFFFFD0] =	vst @p1 v20;
	v17 =	vld.idx.msk @p0 [tilespmem:v17+s2+$0x0], $0xffff;
	v50 =	vor.u32 v0, v5  }
0x16a: {  	v14 =	vld.idx.msk @p1 [tilespmem:v14+s2+$0x0], $0xffff  }
0x16b: {  	v22 =	vor.u32 @p0 v2, v6;
	v51 =	vld [tilespmem:s3+$0x60]  }
0x16c: {  	v20 =	vor.u32 @p0 v1, v16;
	v18 =	vld.idx.msk [tilespmem:v49+s2+$0x0], $0xffff;
	v11 =	vadd.f32 @p0 v15, v11  }
0x16d: {  	v53 =	vld [tilespmem:s3+$0xFFFFFFE0]  }
0x16e: {  	[tilespmem:s8+$0x50] =	vst @p0 v11;
	v11 =	vadd.f32 @p0 v19, v17;
	v54 =	vld.idx.msk [tilespmem:v50+s2+$0x0], $0xffff  }
0x16f: {  	v23 =	vld @p1 [tilespmem:s9+$0x0];
	v52 =	vor.u32 v1, v4  }
0x170: {  	v19 =	vld.idx.msk @p0 [tilespmem:v22+s2+$0x0], $0xffff;
	[tilespmem:s8+$0xFFFFFFC0] =	vst @p0 v11  }
0x171: {  	v55 =	vor.u32 v1, v5;
	v18 =	vadd.f32 v51, v18;
	v11 =	vld.idx.msk @p0 [tilespmem:v20+s2+$0x0], $0xffff  }
0x172: {  	v22 =	vld @p0 [tilespmem:s0+$0xFFFFFFF0]  }
0x173: {  	v13 =	vld.idx.msk @p2 [tilespmem:v13+s2+$0x0], $0xffff;
	[tilespmem:s11+$0x40] =	vst v18;
	v17 =	vadd.f32 v53, v54  }
0x174: {  	v15 =	vld.idx.msk [tilespmem:v52+s2+$0x0], $0xffff  }
0x175: {  	v12 =	vpsel p1, v12, v0;
	v24 =	vor.u32 @p0 v2, v16;
	v56 =	vld [tilespmem:s3+$0x70];
	[tilespmem:s11+$0xFFFFFFC0] =	vst v17  }
0x176: {  	v10 =	vpsel p0, v24, v10;
	v18 =	vld.idx.msk [tilespmem:v55+s2+$0x0], $0xffff  }
0x177: {  	v14 =	vadd.f32 @p1 v23, v14;
	v8 =	vpsel p0, v11, v8;
	v9 =	vpsel p0, v22, v9;
	v58 =	vld [tilespmem:s3+$0xFFFFFFF0]  }
0x178: {  	s1 =	smov.u32 @p0 s8;
	v57 =	vor.u32 v2, v4;
	v21 =	vld @p0 [tilespmem:s0+$0x80];
	v8 =	vadd.f32 @p0 v9, v8  }
0x179: {  	s7 =	smov.u32 @p0 s1;
	[tilespmem:s24+$0xFFFFFFE0] =	vst @p1 v14;
	v20 =	vld @p2 [tilespmem:s13+$0x10]  }
0x17a: {  	v59 =	vor.u32 v2, v5;
	v11 =	vld.idx.msk @p1 [tilespmem:v12+s2+$0x0], $0xffff;
	v15 =	vadd.f32 v56, v15;
	[tilespmem:s7+$0xFFFFFFD0] =	vst @p0 v8  }
0x17b: {  	s23 =	smov.u32 @p0 s0;
	v10 =	vld.idx.msk @p0 [tilespmem:v10+s2+$0x0], $0xffff  }
0x17c: {  	v6 =	vor.u32 @p0 v3, v6;
	[tilespmem:s11+$0x50] =	vst v15;
	v17 =	vld @p0 [tilespmem:s23+$0x0];
	v62 =	vadd.f32 v58, v18  }
0x17d: {  	v16 =	vor.u32 @p0 v3, v16;
	v60 =	vld.idx.msk [tilespmem:v57+s2+$0x0], $0xffff  }
0x17e: {  	v7 =	vpsel p0, v16, v7;
	v19 =	vadd.f32 @p0 v21, v19;
	v61 =	vld [tilespmem:s3+$0x80];
	[tilespmem:s11+$0xFFFFFFD0] =	vst v62  }
0x17f: {  	v7 =	vpsel p0, v7, v0;
	v9 =	vld.idx.msk [tilespmem:v59+s2+$0x0], $0xffff  }
0x180: {  	[tilespmem:s8+$0x60] =	vst @p0 v19;
	v15 =	vld [tilespmem:s3+$0x0]  }
0x181: {  	s4 =	smov.u32 @p1 s9;
	v4 =	vor.u32 v3, v4;
	v6 =	vld.idx.msk @p0 [tilespmem:v6+s2+$0x0], $0xffff;
	v10 =	vadd.f32 @p0 v17, v10  }
0x182: {  	v14 =	vld @p0 [tilespmem:s0+$0x90];
	s0 =	smov.u32 @p1 s4  }
0x183: {  	v5 =	vor.u32 v3, v5;
	v12 =	vld @p1 [tilespmem:s0+$0x10];
	s0 =	smov.u32 @p0 s23;
	v8 =	vadd.f32 v61, v60;
	[tilespmem:s7+$0xFFFFFFE0] =	vst @p0 v10  }
0x184: {  	s0 =	smov.u32 @p0 s0;
	v7 =	vld.idx.msk @p0 [tilespmem:v7+s2+$0x0], $0xffff  }
0x185: {  	[tilespmem:s11+$0x60] =	vst v8;
	v10 =	vld @p0 [tilespmem:s0+$0x10];
	v9 =	vadd.f32 v15, v9  }
0x186: {  	v4 =	vld.idx.msk [tilespmem:v4+s2+$0x0], $0xffff  }
0x187: {  	v8 =	vld [tilespmem:s3+$0x90];
	[tilespmem:s11+$0xFFFFFFE0] =	vst v9  }
0x188: {  	v5 =	vld.idx.msk [tilespmem:v5+s2+$0x0], $0xffff  }
0x189: {  	v9 =	vadd.f32 @p2 v20, v13;
	v63 =	vld [tilespmem:s3+$0x10]  }
0x18a: {  	v6 =	vadd.f32 @p0 v14, v6  }
0x18b: {  	s0 =	smov.u32 @p1 s24;
	[tilespmem:s21+$0xFFFFFFF0] =	vst @p2 v9;
	v9 =	vadd.f32 @p1 v12, v11  }
0x18c: {  	[tilespmem:s1+$0x70] =	vst @p0 v6;
	s0 =	smov.u32 @p1 s0;
	v4 =	vadd.f32 v8, v4  }
0x18d: {  	v6 =	vadd.f32 @p0 v10, v7;
	[tilespmem:s0+$0xFFFFFFF0] =	vst @p1 v9;
	s0 =	smov.u32 @p0 s7  }
0x18e: {  	[tilespmem:s11+$0x70] =	vst v4;
	s0 =	smov.u32 @p0 s0;
	v4 =	vadd.f32 v63, v5  }
0x18f: {  	[tilespmem:s0+$0xFFFFFFF0] =	vst @p0 v6  }
0x190: {  	[tilespmem:s11+$0xFFFFFFF0] =	vst v4  }
.LBB2_5:
0x191: {  	s1 =	ssub.s32 s22, s25  }
0x192: {  	s24 =	smul.u32 $0xC8, s18;
	p0 =	slt.s32 s1, $0x1  }
0x193: {  	s1 =	sshll.u32 @!p0 s25, $0x1  }
0x194: {  	s1 =	sadd.s32 @!p0 s24, s1  }
0x195: {  	v4 =	vmov @!p0 s1  }
0x196: {  	v4 =	vand.u32 @!p0 $0xFFFFFFFE, v4  }
0x197: {  	v4 =	vbroadcast @!p0 v4, $0x0;
	_ =	sdelay $0x5  }
0x198: {  	v4 =	vld.idx.msk @!p0 [tilespmem:v4+s12+$0x0], $0xffff;
	_ =	sdelay $0x4  }
0x199: {  	v4 =	vshll.u32 @!p0 v4, $0x6  }
0x19a: {  	v5 =	vor.u32 @!p0 v0, v4;
	_ =	sdelay $0x1  }
0x19b: {  	s1 =	sshllo.u32 @!p0 s25, $0x1  }
0x19c: {  	s3 =	sshll.u32 @!p0 s1, $0x6  }
0x19d: {  	v6 =	vld @!p0 [tilespmem:s3+$0x580]  }
0x19e: {  	v5 =	vld.idx.msk @!p0 [tilespmem:v5+s2+$0x0], $0xffff;
	_ =	sdelay $0x1  }
0x19f: {  	s0 =	sand.u32 $0x3, s18  }
0x1a0: {  	s23 =	smul.u32 $0xD000, s0;
	v7 =	vor.u32 @!p0 v1, v4;
	_ =	sdelay $0x1  }
0x1a1: {  	s4 =	sshll.u32 @!p0 s25, $0x7;
	s21 =	sshrl.u32 s23, $0x2;
	v5 =	vadd.f32 @!p0 v6, v5  }
0x1a2: {  	s7 =	sadd.s32 @!p0 s4, s21  }
0x1a3: {  	[tilespmem:s7+$0x9F00] =	vst @!p0 v5  }
0x1a4: {  	s8 =	sor.u32 @!p0 $0x50, s3;
	v5 =	vld.idx.msk @!p0 [tilespmem:v7+s2+$0x0], $0xffff  }
0x1a5: {  	v6 =	vld @!p0 [tilespmem:s8+$0x580];
	_ =	sdelay $0x2  }
0x1a6: {  	v7 =	vor.u32 @!p0 v2, v4;
	_ =	sdelay $0x1  }
0x1a7: {  	v5 =	vadd.f32 @!p0 v6, v5;
	_ =	sdelay $0x1  }
0x1a8: {  	[tilespmem:s7+$0x9F10] =	vst @!p0 v5  }
0x1a9: {  	s8 =	sor.u32 @!p0 $0x60, s3;
	v5 =	vld.idx.msk @!p0 [tilespmem:v7+s2+$0x0], $0xffff  }
0x1aa: {  	v6 =	vld @!p0 [tilespmem:s8+$0x580];
	_ =	sdelay $0x2  }
0x1ab: {  	v4 =	vor.u32 @!p0 v3, v4;
	_ =	sdelay $0x1  }
0x1ac: {  	v5 =	vadd.f32 @!p0 v6, v5;
	_ =	sdelay $0x1  }
0x1ad: {  	[tilespmem:s7+$0x9F20] =	vst @!p0 v5  }
0x1ae: {  	s3 =	sor.u32 @!p0 $0x70, s3;
	v4 =	vld.idx.msk @!p0 [tilespmem:v4+s2+$0x0], $0xffff  }
0x1af: {  	v5 =	vld @!p0 [tilespmem:s3+$0x580];
	_ =	sdelay $0x1  }
0x1b0: {  	s1 =	sadd.s32 @!p0 s24, s1  }
0x1b1: {  	v6 =	vmov @!p0 s1;
	_ =	sdelay $0x1  }
0x1b2: {  	v4 =	vadd.f32 @!p0 v5, v4;
	_ =	sdelay $0x1  }
0x1b3: {  	[tilespmem:s7+$0x9F30] =	vst @!p0 v4  }
0x1b4: {  	v4 =	vld.idx.msk @!p0 [tilespmem:v6+s12+$0x0], $0xffff;
	_ =	sdelay $0x4  }
0x1b5: {  	v4 =	vshll.u32 @!p0 v4, $0x6  }
0x1b6: {  	v5 =	vor.u32 @!p0 v0, v4;
	_ =	sdelay $0x3  }
0x1b7: {  	v6 =	vld @!p0 [tilespmem:s4+$0x600]  }
0x1b8: {  	v5 =	vld.idx.msk @!p0 [tilespmem:v5+s2+$0x0], $0xffff;
	_ =	sdelay $0x2  }
0x1b9: {  	v7 =	vor.u32 @!p0 v1, v4;
	_ =	sdelay $0x1  }
0x1ba: {  	v5 =	vadd.f32 @!p0 v6, v5;
	_ =	sdelay $0x1  }
0x1bb: {  	[tilespmem:s7+$0x9F40] =	vst @!p0 v5  }
0x1bc: {  	v5 =	vld.idx.msk @!p0 [tilespmem:v7+s2+$0x0], $0xffff  }
0x1bd: {  	v6 =	vld @!p0 [tilespmem:s4+$0x610];
	_ =	sdelay $0x2  }
0x1be: {  	v7 =	vor.u32 @!p0 v2, v4;
	_ =	sdelay $0x1  }
0x1bf: {  	v5 =	vadd.f32 @!p0 v6, v5;
	_ =	sdelay $0x1  }
0x1c0: {  	[tilespmem:s7+$0x9F50] =	vst @!p0 v5  }
0x1c1: {  	v5 =	vld.idx.msk @!p0 [tilespmem:v7+s2+$0x0], $0xffff  }
0x1c2: {  	v6 =	vld @!p0 [tilespmem:s4+$0x620];
	_ =	sdelay $0x2  }
0x1c3: {  	v4 =	vor.u32 @!p0 v3, v4;
	_ =	sdelay $0x1  }
0x1c4: {  	v5 =	vadd.f32 @!p0 v6, v5;
	_ =	sdelay $0x1  }
0x1c5: {  	[tilespmem:s7+$0x9F60] =	vst @!p0 v5  }
0x1c6: {  	v4 =	vld.idx.msk @!p0 [tilespmem:v4+s2+$0x0], $0xffff  }
0x1c7: {  	v5 =	vld @!p0 [tilespmem:s4+$0x630];
	_ =	sdelay $0x4  }
0x1c8: {  	v4 =	vadd.f32 @!p0 v5, v4  }
0x1c9: {  	s28 =	sand.u32 $0x1, s20  }
0x1ca: {  	[tilespmem:s7+$0x9F70] =	vst @!p0 v4;
	p0 =	seq.s32 s28, $0x0  }
0x1cb: {  	s1 =	sadd.s32 @!p0 s24, s20  }
0x1cc: {  	s3 =	sadd.s32 @!p0 $0xFFFFFFFF, s1  }
0x1cd: {  	v4 =	vmov @!p0 s3  }
0x1ce: {  	v4 =	vand.u32 @!p0 $0xFFFFFFFE, v4  }
0x1cf: {  	v4 =	vbroadcast @!p0 v4, $0x0;
	_ =	sdelay $0x4  }
0x1d0: {  	s3 =	simm.s32 @!p0 $0x3A00  }
0x1d1: {  	v4 =	vld.idx.msk @!p0 [tilespmem:v4+s3+$0x0], $0xffff;
	_ =	sdelay $0x4  }
0x1d2: {  	v5 =	vlaneseq.u32 @!p0;
	v4 =	vshll.u32 @!p0 v4, $0x6  }
0x1d3: {  	v6 =	vor.u32 @!p0 v5, v4;
	_ =	sdelay $0x2  }
0x1d4: {  	s7 =	sshll.u32 @!p0 s20, $0x6  }
0x1d5: {  	s4 =	simm.s32 @!p0 $0x0;
	v7 =	vld @!p0 [tilespmem:s7+$0x580]  }
0x1d6: {  	v6 =	vld.idx.msk @!p0 [tilespmem:v6+s4+$0x0], $0xffff;
	_ =	sdelay $0x1  }
0x1d7: {  	v8 =	vor.u32 @!p0 $0x10, v5  }
0x1d8: {  	s0 =	smul.u32 @!p0 $0xD000, s0;
	v9 =	vor.u32 @!p0 v8, v4  }
0x1d9: {  	s8 =	sshll.u32 @!p0 s22, $0x9  }
0x1da: {  	s8 =	sshra.s32 @!p0 s8, $0x2;
	s0 =	sshrl.u32 @!p0 s0, $0x2;
	v6 =	vadd.f32 @!p0 v7, v6  }
0x1db: {  	s8 =	sadd.s32 @!p0 s8, s0  }
0x1dc: {  	[tilespmem:s8+$0x9F00] =	vst @!p0 v6  }
0x1dd: {  	s0 =	sor.u32 @!p0 $0x50, s7;
	v6 =	vld.idx.msk @!p0 [tilespmem:v9+s4+$0x0], $0xffff  }
0x1de: {  	v7 =	vld @!p0 [tilespmem:s0+$0x580];
	_ =	sdelay $0x1  }
0x1df: {  	v9 =	vor.u32 @!p0 $0x20, v5  }
0x1e0: {  	v10 =	vor.u32 @!p0 v9, v4;
	_ =	sdelay $0x1  }
0x1e1: {  	v6 =	vadd.f32 @!p0 v7, v6;
	_ =	sdelay $0x1  }
0x1e2: {  	[tilespmem:s8+$0x9F10] =	vst @!p0 v6  }
0x1e3: {  	s0 =	sor.u32 @!p0 $0x60, s7;
	v6 =	vld.idx.msk @!p0 [tilespmem:v10+s4+$0x0], $0xffff  }
0x1e4: {  	v7 =	vld @!p0 [tilespmem:s0+$0x580];
	_ =	sdelay $0x1  }
0x1e5: {  	v10 =	vor.u32 @!p0 $0x30, v5  }
0x1e6: {  	v4 =	vor.u32 @!p0 v10, v4;
	_ =	sdelay $0x1  }
0x1e7: {  	v6 =	vadd.f32 @!p0 v7, v6;
	_ =	sdelay $0x1  }
0x1e8: {  	[tilespmem:s8+$0x9F20] =	vst @!p0 v6  }
0x1e9: {  	s0 =	sor.u32 @!p0 $0x70, s7;
	v4 =	vld.idx.msk @!p0 [tilespmem:v4+s4+$0x0], $0xffff  }
0x1ea: {  	v6 =	vld @!p0 [tilespmem:s0+$0x580];
	_ =	sdelay $0x2  }
0x1eb: {  	v7 =	vmov @!p0 s1;
	_ =	sdelay $0x1  }
0x1ec: {  	v4 =	vadd.f32 @!p0 v6, v4;
	_ =	sdelay $0x1  }
0x1ed: {  	[tilespmem:s8+$0x9F30] =	vst @!p0 v4  }
0x1ee: {  	v4 =	vld.idx.msk @!p0 [tilespmem:v7+s3+$0x0], $0xffff;
	_ =	sdelay $0x4  }
0x1ef: {  	v4 =	vshll.u32 @!p0 v4, $0x6  }
0x1f0: {  	v5 =	vor.u32 @!p0 v5, v4;
	_ =	sdelay $0x4  }
0x1f1: {  	v5 =	vld.idx.msk @!p0 [tilespmem:v5+s4+$0x0], $0xffff  }
0x1f2: {  	v6 =	vor.u32 @!p0 v8, v4;
	_ =	sdelay $0x3  }
0x1f3: {  	[tilespmem:s8+$0x9F40] =	vst @!p0 v5  }
0x1f4: {  	v5 =	vld.idx.msk @!p0 [tilespmem:v6+s4+$0x0], $0xffff  }
0x1f5: {  	v6 =	vor.u32 @!p0 v9, v4;
	_ =	sdelay $0x3  }
0x1f6: {  	s29 =	sadd.s32 $0x1, s20;
	[tilespmem:s8+$0x9F50] =	vst @!p0 v5  }
0x1f7: {  	s0 =	sshra.s32 s29, $0x1;
	v5 =	vld.idx.msk @!p0 [tilespmem:v6+s4+$0x0], $0xffff  }
0x1f8: {  	s30 =	ssub.s32 $0x64, s0;
	v4 =	vor.u32 @!p0 v10, v4  }
0x1f9: {  	s31 =	sshrl.u32 s30, $0x1F  }
0x1fa: {  	s1 =	sadd.s32 s31, s30  }
0x1fb: {  	s1 =	sand.u32 $0xFFFFFFFE, s1  }
0x1fc: {  	s20 =	sadd.s32 s0, s1;
	[tilespmem:s8+$0x9F60] =	vst @!p0 v5  }
0x1fd: {  	p1 =	sge.s32 s0, s20;
	v4 =	vld.idx.msk @!p0 [tilespmem:v4+s4+$0x0], $0xffff  }
.Ltmp10:
0x1fe: {  	_ = 	snop;
	(pc) =	sbr.rel @p1 .LBB2_28-.Ltmp10, $2  }
0x1ff: {  	_ =	sdelay $0x2  }
0x200: {  	[tilespmem:s8+$0x9F70] =	vst @!p0 v4  }
0x201: {  	s3 =	sshll.u32 s0, $0x1  }
0x202: {  	s22 =	sadd.s32 s3, s17  }
0x203: {  	v4 =	vmov s22;
	s31 =	sadd.s32 $0x2, s22  }
0x204: {  	v4 =	vand.u32 $0xFFFFFFFE, v4;
	v5 =	vmov s31  }
0x205: {  	v4 =	vbroadcast v4, $0x0;
	v5 =	vand.u32 $0xFFFFFFFE, v5  }
0x206: {  	v5 =	vbroadcast v5, $0x0;
	_ =	sdelay $0x4  }
0x207: {  	v4 =	vld.idx.msk [tilespmem:v4+s12+$0x0], $0xffff  }
0x208: {  	s1 =	sshll.u32 s0, $0x9;
	s0 =	sadd.s32 $0x2, s0;
	v6 =	vld.idx.msk [tilespmem:v5+s12+$0x0], $0xffff  }
0x209: {  	p4 =	slt.s32 s0, s20  }
.Ltmp11:
0x20a: {  	_ = 	snop;
	(pc) =	sbr.rel @!p4 .LBB2_7-.Ltmp11, $4  }
0x20b: {  	_ = 	snop  }
0x20c: {  	p0 =	por $0x0, $0x0;
	s1 =	sadd.s32 s1, s19  }
0x20d: {  	p1 =	por $0x0, $0x0;
	p2 =	por $0x0, $0x0;
	s1 =	sshra.s32 s1, $0x2;
	v5 =	vshll.u32 v4, $0x6;
	v7 =	vshll.u32 v6, $0x6  }
0x20e: {  	p3 =	por $0x0, $0x0;
	s7 =	sadd.s32 $0x4, s22;
	s19 =	sadd.s32 $0x9F80, s1;
	v18 =	vor.u32 v0, v5;
	v20 =	vor.u32 v0, v7  }
0x20f: {  	_ =	sdelay $0x2  }
0x210: {  	v4 =	vmov s7;
	s1 =	sadd.s32 $0x2, s7  }
0x211: {  	v8 =	vld.idx.msk [tilespmem:v20+s2+$0x0], $0xffff;
	v4 =	vand.u32 $0xFFFFFFFE, v4;
	v6 =	vmov s1  }
0x212: {  	v9 =	vor.u32 v1, v7;
	v4 =	vbroadcast v4, $0x0;
	v6 =	vand.u32 $0xFFFFFFFE, v6  }
0x213: {  	v6 =	vbroadcast v6, $0x0;
	_ =	sdelay $0x2  }
0x214: {  	v10 =	vld.idx.msk [tilespmem:v18+s2+$0x0], $0xffff;
	[tilespmem:s19+$0x0] =	vst v8  }
0x215: {  	v8 =	vld.idx.msk [tilespmem:v9+s2+$0x0], $0xffff  }
0x216: {  	v4 =	vld.idx.msk [tilespmem:v4+s12+$0x0], $0xffff  }
0x217: {  	v12 =	vor.u32 v1, v5;
	s1 =	sadd.s32 $0x2, s0;
	v6 =	vld.idx.msk [tilespmem:v6+s12+$0x0], $0xffff  }
0x218: {  	v11 =	vor.u32 v2, v7;
	p4 =	slt.s32 s1, s20  }
.Ltmp12:
0x219: {  	_ = 	snop;
	(pc) =	sbr.rel @!p4 .LBB2_18-.Ltmp12, $4  }
0x21a: {  	_ = 	snop  }
0x21b: {  	[tilespmem:s19+$0xFFFFFF80] =	vst v10  }
0x21c: {  	v21 =	vld.idx.msk [tilespmem:v12+s2+$0x0], $0xffff;
	[tilespmem:s19+$0x10] =	vst v8;
	v8 =	vshll.u32 v4, $0x6;
	v9 =	vshll.u32 v6, $0x6  }
0x21d: {  	s4 =	sadd.s32 $0x4, s7;
	v26 =	vor.u32 v3, v7;
	p0 =	por $0x1, $0x1;
	v19 =	vld.idx.msk [tilespmem:v11+s2+$0x0], $0xffff;
	v18 =	vor.u32 v0, v8;
	v20 =	vor.u32 v0, v9  }
0x21e: {  	_ =	sdelay $0x2  }
0x21f: {  	v4 =	vmov s4;
	s0 =	sadd.s32 $0x2, s4  }
0x220: {  	v7 =	vor.u32 v2, v5;
	v10 =	vld.idx.msk [tilespmem:v20+s2+$0x0], $0xffff;
	v4 =	vand.u32 $0xFFFFFFFE, v4;
	v6 =	vmov s0  }
0x221: {  	v12 =	vor.u32 v1, v9;
	v4 =	vbroadcast v4, $0x0;
	v6 =	vand.u32 $0xFFFFFFFE, v6  }
0x222: {  	v6 =	vbroadcast v6, $0x0;
	[tilespmem:s19+$0x20] =	vst v19  }
0x223: {  	s30 =	sadd.s32 $0x3, s22;
	v11 =	vld.idx.msk [tilespmem:v26+s2+$0x0], $0xffff  }
0x224: {  	v13 =	vld.idx.msk [tilespmem:v18+s2+$0x0], $0xffff;
	v14 =	vmov s30;
	s0 =	sadd.s32 $0x100, s19;
	[tilespmem:s19+$0xFFFFFF90] =	vst v21  }
0x225: {  	v7 =	vld.idx.msk [tilespmem:v7+s2+$0x0], $0xffff;
	[tilespmem:s0+$0x0] =	vst v10  }
0x226: {  	v12 =	vld.idx.msk [tilespmem:v12+s2+$0x0], $0xffff  }
0x227: {  	v4 =	vld.idx.msk [tilespmem:v4+s12+$0x0], $0xffff  }
0x228: {  	v15 =	vor.u32 v1, v8;
	v6 =	vld.idx.msk [tilespmem:v6+s12+$0x0], $0xffff;
	[tilespmem:s19+$0x30] =	vst v11  }
0x229: {  	s3 =	sadd.s32 $0x2, s1;
	v10 =	vor.u32 v3, v5;
	v11 =	vld.idx.msk [tilespmem:v14+s12+$0x0], $0xffff  }
0x22a: {  	v63 =	vor.u32 v2, v9;
	p4 =	slt.s32 s3, s20  }
.Ltmp13:
0x22b: {  	_ = 	snop;
	(pc) =	sbr.rel @!p4 .LBB2_20-.Ltmp13, $4  }
0x22c: {  	s31 =	sadd.s32 $0x1, s22;
	[tilespmem:s0+$0xFFFFFF80] =	vst v13  }
0x22d: {  	v34 =	vmov s31;
	v26 =	vor.u32 v3, v9;
	v21 =	vld.idx.msk [tilespmem:v15+s2+$0x0], $0xffff;
	[tilespmem:s19+$0xFFFFFFA0] =	vst v7;
	v5 =	vshll.u32 v4, $0x6  }
0x22e: {  	v22 =	vld.idx.msk [tilespmem:v10+s2+$0x0], $0xffff;
	[tilespmem:s0+$0x10] =	vst v12;
	v18 =	vor.u32 v0, v5;
	v7 =	vshll.u32 v6, $0x6;
	v4 =	vshll.u32 v11, $0x6  }
0x22f: {  	s22 =	sadd.s32 $0x4, s4;
	p1 =	por $0x1, $0x1;
	v19 =	vld.idx.msk [tilespmem:v63+s2+$0x0], $0xffff;
	v20 =	vor.u32 v0, v7;
	v24 =	vor.u32 v0, v4;
	v6 =	vor.u32 v2, v4  }
0x230: {  	_ =	sdelay $0x2  }
0x231: {  	v9 =	vmov s22;
	s1 =	sadd.s32 $0x2, s22  }
0x232: {  	v11 =	vor.u32 v2, v8;
	v14 =	vld.idx.msk [tilespmem:v20+s2+$0x0], $0xffff;
	v9 =	vand.u32 $0xFFFFFFFE, v9;
	v10 =	vmov s1  }
0x233: {  	v12 =	vld.idx.msk [tilespmem:v18+s2+$0x0], $0xffff;
	v16 =	vor.u32 v1, v7;
	v9 =	vbroadcast v9, $0x0;
	v10 =	vand.u32 $0xFFFFFFFE, v10;
	[tilespmem:s19+$0xFFFFFFB0] =	vst v22  }
0x234: {  	v10 =	vbroadcast v10, $0x0;
	v13 =	vld.idx.msk [tilespmem:v34+s12+$0x0], $0xffff;
	[tilespmem:s0+$0x20] =	vst v19  }
0x235: {  	s30 =	sadd.s32 $0x3, s7;
	v15 =	vld.idx.msk [tilespmem:v26+s2+$0x0], $0xffff  }
0x236: {  	v18 =	vld.idx.msk [tilespmem:v24+s2+$0x0], $0xffff;
	v17 =	vmov s30;
	s1 =	sadd.s32 $0x100, s0;
	[tilespmem:s0+$0xFFFFFF90] =	vst v21  }
0x237: {  	v11 =	vld.idx.msk [tilespmem:v11+s2+$0x0], $0xffff;
	[tilespmem:s1+$0x0] =	vst v14  }
0x238: {  	v19 =	vor.u32 v3, v8;
	v16 =	vld.idx.msk [tilespmem:v16+s2+$0x0], $0xffff  }
0x239: {  	v21 =	vor.u32 v2, v7;
	v9 =	vld.idx.msk [tilespmem:v9+s12+$0x0], $0xffff;
	v8 =	vshll.u32 v13, $0x6  }
0x23a: {  	v10 =	vld.idx.msk [tilespmem:v10+s12+$0x0], $0xffff;
	v14 =	vor.u32 v0, v8;
	[tilespmem:s0+$0x30] =	vst v15  }
0x23b: {  	s3 =	sadd.s32 $0x2, s3;
	v15 =	vor.u32 v1, v4;
	v17 =	vld.idx.msk [tilespmem:v17+s12+$0x0], $0xffff  }
0x23c: {  	p4 =	slt.s32 s3, s20;
	[tilespmem:s0+$0xFFFFFFA0] =	vst v11;
	v11 =	vor.u32 v1, v5  }
.Ltmp14:
0x23d: {  	v13 =	vld.idx.msk [tilespmem:v19+s2+$0x0], $0xffff;
	[tilespmem:s1+$0x10] =	vst v16;
	(pc) =	sbr.rel @!p4 .LBB2_22-.Ltmp14, $4  }
0x23e: {  	[tilespmem:s19+$0x40] =	vst v18;
	v26 =	vor.u32 v3, v7;
	v19 =	vld.idx.msk [tilespmem:v21+s2+$0x0], $0xffff  }
0x23f: {  	[tilespmem:s1+$0xFFFFFF80] =	vst v12;
	v12 =	vor.u32 v1, v8;
	v29 =	vshll.u32 v9, $0x6;
	v23 =	vshll.u32 v10, $0x6;
	v10 =	vld.idx.msk [tilespmem:v14+s2+$0x0], $0xffff  }
0x240: {  	s31 =	sadd.s32 $0x1, s7;
	v18 =	vor.u32 v0, v29;
	v20 =	vor.u32 v0, v23;
	v9 =	vld.idx.msk [tilespmem:v15+s2+$0x0], $0xffff;
	v15 =	vshll.u32 v17, $0x6  }
0x241: {  	s7 =	sadd.s32 $0x4, s22;
	p2 =	por $0x1, $0x1;
	v21 =	vld.idx.msk [tilespmem:v11+s2+$0x0], $0xffff;
	v17 =	vmov s31;
	v16 =	vor.u32 v0, v15;
	v11 =	vor.u32 v2, v15  }
0x242: {  	_ =	sdelay $0x3  }
0x243: {  	v7 =	vmov s7;
	s8 =	sadd.s32 $0x2, s7;
	v24 =	vld.idx.msk [tilespmem:v18+s2+$0x0], $0xffff  }
0x244: {  	v18 =	vld.idx.msk [tilespmem:v20+s2+$0x0], $0xffff;
	[tilespmem:s0+$0xFFFFFFB0] =	vst v13;
	v7 =	vand.u32 $0xFFFFFFFE, v7;
	v14 =	vmov s8  }
0x245: {  	v20 =	vor.u32 v2, v5;
	v30 =	vld.idx.msk [tilespmem:v16+s2+$0x0], $0xffff;
	[tilespmem:s1+$0x20] =	vst v19;
	v7 =	vbroadcast v7, $0x0;
	v14 =	vand.u32 $0xFFFFFFFE, v14  }
0x246: {  	v19 =	vld.idx.msk [tilespmem:v17+s12+$0x0], $0xffff;
	[tilespmem:s19+$0xFFFFFFC0] =	vst v10;
	v14 =	vbroadcast v14, $0x0  }
0x247: {  	v25 =	vld.idx.msk [tilespmem:v26+s2+$0x0], $0xffff;
	[tilespmem:s19+$0x50] =	vst v9  }
0x248: {  	s30 =	sadd.s32 $0x3, s4;
	v22 =	vld.idx.msk [tilespmem:v12+s2+$0x0], $0xffff;
	[tilespmem:s1+$0xFFFFFF90] =	vst v21;
	v21 =	vor.u32 v1, v23  }
0x249: {  	v27 =	vmov s30;
	v26 =	vld.idx.msk [tilespmem:v6+s2+$0x0], $0xffff  }
0x24a: {  	v28 =	vor.u32 v2, v8;
	v20 =	vld.idx.msk [tilespmem:v20+s2+$0x0], $0xffff  }
0x24b: {  	v31 =	vor.u32 v3, v4;
	s8 =	sadd.s32 $0x100, s1;
	v7 =	vld.idx.msk [tilespmem:v7+s12+$0x0], $0xffff  }
0x24c: {  	v5 =	vor.u32 v3, v5;
	[tilespmem:s8+$0x0] =	vst v18;
	v32 =	vld.idx.msk [tilespmem:v14+s12+$0x0], $0xffff  }
0x24d: {  	[tilespmem:s1+$0x30] =	vst v25;
	v25 =	vor.u32 v1, v15;
	v14 =	vshll.u32 v19, $0x6;
	v18 =	vld.idx.msk [tilespmem:v21+s2+$0x0], $0xffff  }
0x24e: {  	[tilespmem:s19+$0xFFFFFFD0] =	vst v22;
	v21 =	vld.idx.msk [tilespmem:v27+s12+$0x0], $0xffff;
	v19 =	vor.u32 v0, v14  }
0x24f: {  	v34 =	vor.u32 v1, v29;
	[tilespmem:s19+$0x60] =	vst v26;
	v33 =	vld.idx.msk [tilespmem:v28+s2+$0x0], $0xffff  }
0x250: {  	s3 =	sadd.s32 $0x2, s3;
	v26 =	vor.u32 v2, v23;
	[tilespmem:s1+$0xFFFFFFA0] =	vst v20;
	v31 =	vld.idx.msk [tilespmem:v31+s2+$0x0], $0xffff  }
0x251: {  	v35 =	vor.u32 v3, v8;
	p4 =	slt.s32 s3, s20;
	[tilespmem:s0+$0x40] =	vst v30;
	v22 =	vld.idx.msk [tilespmem:v5+s2+$0x0], $0xffff;
	v5 =	vshll.u32 v7, $0x6  }
.Ltmp15:
0x252: {  	v30 =	vld.idx.msk [tilespmem:v25+s2+$0x0], $0xffff;
	v7 =	vshll.u32 v32, $0x6;
	[tilespmem:s8+$0x10] =	vst v18;
	v18 =	vor.u32 v0, v5;
	(pc) =	sbr.rel @!p4 .LBB2_24-.Ltmp15, $4  }
0x253: {  	[tilespmem:s8+$0xFFFFFF80] =	vst v24;
	v27 =	vld.idx.msk [tilespmem:v19+s2+$0x0], $0xffff;
	v20 =	vor.u32 v0, v7  }
0x254: {  	s31 =	sadd.s32 $0x1, s4;
	v28 =	vshll.u32 v21, $0x6;
	v32 =	vor.u32 v1, v14;
	v21 =	vld.idx.msk [tilespmem:v34+s2+$0x0], $0xffff  }
0x255: {  	s4 =	sadd.s32 $0x4, s7;
	[tilespmem:s19+$0xFFFFFFE0] =	vst v33;
	v34 =	vmov s31;
	v19 =	vld.idx.msk [tilespmem:v26+s2+$0x0], $0xffff;
	v24 =	vor.u32 v0, v28;
	v25 =	vor.u32 v2, v28  }
0x256: {  	p3 =	por $0x1, $0x1;
	s11 =	smov.u32 s0;
	s13 =	smov.u32 s19;
	v26 =	vor.u32 v3, v23;
	v33 =	vld.idx.msk [tilespmem:v35+s2+$0x0], $0xffff;
	[tilespmem:s19+$0x70] =	vst v31;
	v23 =	vmov v11;
	v31 =	vmov v15  }
.LBB2_25:
0x257: {  	v35 =	vmov s4;
	s9 =	sadd.s32 $0x2, s4;
	s3 =	sadd.s32 $0x2, s3;
	v36 =	vld.idx.msk [tilespmem:v18+s2+$0x0], $0xffff;
	[tilespmem:s1+$0xFFFFFFB0] =	vst v22  }
0x258: {  	v18 =	vand.u32 $0xFFFFFFFE, v35;
	v22 =	vmov s9;
	p4 =	slt.s32 s3, s20;
	v20 =	vld.idx.msk [tilespmem:v20+s2+$0x0], $0xffff;
	v35 =	vor.u32 v2, v29;
	[tilespmem:s11+$0xFFFFFFC0] =	vst v27  }
0x259: {  	v18 =	vbroadcast v18, $0x0;
	v22 =	vand.u32 $0xFFFFFFFE, v22;
	v27 =	vld.idx.msk [tilespmem:v32+s2+$0x0], $0xffff;
	[tilespmem:s11+$0x50] =	vst v30  }
0x25a: {  	v22 =	vbroadcast v22, $0x0;
	[tilespmem:s8+$0x20] =	vst v19;
	v19 =	vld.idx.msk [tilespmem:v34+s12+$0x0], $0xffff  }
0x25b: {  	[tilespmem:s8+$0xFFFFFF90] =	vst v21;
	v21 =	vld.idx.msk [tilespmem:v26+s2+$0x0], $0xffff  }
0x25c: {  	s9 =	sadd.s32 $0x3, s22;
	v26 =	vor.u32 v1, v7;
	v30 =	vld.idx.msk [tilespmem:v23+s2+$0x0], $0xffff;
	[tilespmem:s13+$0xFFFFFFF0] =	vst v33;
	v23 =	vmov v25;
	s13 =	smov.u32 s11;
	s11 =	smov.u32 s1  }
0x25d: {  	v32 =	vmov s9;
	v33 =	vor.u32 v2, v14;
	s1 =	smov.u32 s8;
	v25 =	vld.idx.msk [tilespmem:v35+s2+$0x0], $0xffff  }
0x25e: {  	v24 =	vld.idx.msk [tilespmem:v24+s2+$0x0], $0xffff  }
0x25f: {  	s8 =	sadd.s32 $0x100, s8;
	v18 =	vld.idx.msk [tilespmem:v18+s12+$0x0], $0xffff;
	[tilespmem:s13+$0xFFFFFFD0] =	vst v27;
	v27 =	vor.u32 v3, v31;
	v31 =	vmov v28  }
0x260: {  	v19 =	vshll.u32 v19, $0x6;
	v28 =	vld.idx.msk [tilespmem:v22+s12+$0x0], $0xffff;
	[tilespmem:s8+$0x0] =	vst v20;
	v20 =	vor.u32 v3, v29;
	v29 =	vmov v5  }
0x261: {  	v35 =	vor.u32 v3, v14;
	v14 =	vmov v19;
	v26 =	vld.idx.msk [tilespmem:v26+s2+$0x0], $0xffff;
	[tilespmem:s1+$0x30] =	vst v21;
	v21 =	vor.u32 v0, v19  }
0x262: {  	v19 =	vor.u32 v1, v31;
	v32 =	vld.idx.msk [tilespmem:v32+s12+$0x0], $0xffff;
	[tilespmem:s13+$0x60] =	vst v30  }
0x263: {  	v34 =	vor.u32 v2, v7;
	[tilespmem:s1+$0xFFFFFFA0] =	vst v25;
	v33 =	vld.idx.msk [tilespmem:v33+s2+$0x0], $0xffff  }
0x264: {  	v25 =	vor.u32 v1, v29;
	[tilespmem:s11+$0x40] =	vst v24;
	v37 =	vld.idx.msk [tilespmem:v27+s2+$0x0], $0xffff  }
0x265: {  	v5 =	vshll.u32 v18, $0x6;
	v22 =	vld.idx.msk [tilespmem:v20+s2+$0x0], $0xffff  }
.Ltmp16:
0x266: {  	v18 =	vor.u32 v0, v5;
	v38 =	vshll.u32 v28, $0x6;
	v27 =	vld.idx.msk [tilespmem:v21+s2+$0x0], $0xffff;
	(pc) =	sbr.rel @p4 .LBB2_25-.Ltmp16, $4  }
0x267: {  	v20 =	vor.u32 v0, v38;
	[tilespmem:s8+$0x10] =	vst v26;
	v30 =	vld.idx.msk [tilespmem:v19+s2+$0x0], $0xffff  }
0x268: {  	s9 =	sadd.s32 $0x1, s22;
	s22 =	smov.u32 s7;
	s7 =	smov.u32 s4;
	v28 =	vshll.u32 v32, $0x6;
	v32 =	vor.u32 v1, v14;
	[tilespmem:s8+$0xFFFFFF80] =	vst v36;
	v19 =	vld.idx.msk [tilespmem:v34+s2+$0x0], $0xffff  }
0x269: {  	v34 =	vmov s9;
	v24 =	vor.u32 v0, v28;
	v21 =	vld.idx.msk [tilespmem:v25+s2+$0x0], $0xffff;
	v25 =	vor.u32 v2, v28;
	[tilespmem:s13+$0xFFFFFFE0] =	vst v33  }
0x26a: {  	s4 =	sadd.s32 $0x4, s4;
	v26 =	vor.u32 v3, v7;
	v7 =	vmov v38;
	v33 =	vld.idx.msk [tilespmem:v35+s2+$0x0], $0xffff;
	[tilespmem:s13+$0x70] =	vst v37  }
.Ltmp17:
0x26b: {  	(pc) =	sbr.rel .LBB2_27-.Ltmp17, $3  }
0x26c: {  	_ =	sdelay $0x1  }
0x26d: {  	s3 =	smov.u32 s1  }
0x26e: {  	s9 =	smov.u32 s22;
	v35 =	vmov v29;
	s1 =	smov.u32 s8;
	s22 =	smov.u32 s7  }
.LBB2_4:
.Ltmp18:
0x26f: {  	(pc) =	sbr.rel .LBB2_16-.Ltmp18, $2  }
0x270: {  	_ =	sdelay $0x2  }
0x271: {  	s11 =	smov.u32 s7;
	s30 =	smov.u32 s17;
	s3 =	simm.s32 $0x620  }
.LBB2_9:
.Ltmp19:
0x272: {  	(pc) =	sbr.rel .LBB2_16-.Ltmp19, $2  }
0x273: {  	_ =	sdelay $0x2  }
0x274: {  	s8 =	smov.u32 s7;
	v26 =	vmov v5;
	s11 =	smov.u32 s24;
	s0 =	simm.s32 $0x620;
	v5 =	vmov v12  }
.LBB2_11:
.Ltmp20:
0x275: {  	(pc) =	sbr.rel .LBB2_16-.Ltmp20, $3  }
0x276: {  	_ =	sdelay $0x1  }
0x277: {  	s8 =	smov.u32 s24;
	s0 =	simm.s32 $0x720;
	s24 =	smov.u32 s7  }
0x278: {  	v26 =	vmovc v12;
	v20 =	vmovc v8;
	v25 =	vmov v9;
	v14 =	vmov v10;
	s30 =	smov.u32 s9;
	s9 =	simm.s32 $0x620;
	v12 =	vmov v7;
	s3 =	simm.s32 $0x820  }
.LBB2_13:
.Ltmp21:
0x279: {  	(pc) =	sbr.rel .LBB2_16-.Ltmp21, $3  }
0x27a: {  	_ =	sdelay $0x1  }
0x27b: {  	s8 =	smov.u32 s11;
	s11 =	smov.u32 s28;
	s9 =	simm.s32 $0x720  }
0x27c: {  	v26 =	vmov v5;
	v5 =	vmov v22;
	v13 =	vmov v7;
	s13 =	simm.s32 $0x620;
	s3 =	simm.s32 $0x920;
	s21 =	smov.u32 s7  }
.LBB2_18:
.Ltmp22:
0x27d: {  	(pc) =	sbr.rel .LBB2_27-.Ltmp22, $2  }
0x27e: {  	_ =	sdelay $0x2  }
0x27f: {  	v35 =	vmov v5;
	s9 =	smov.u32 s22;
	s1 =	smov.u32 s19;
	v7 =	vmov v9;
	v5 =	vmov v8;
	s22 =	smov.u32 s7  }
.LBB2_20:
.Ltmp23:
0x280: {  	(pc) =	sbr.rel .LBB2_27-.Ltmp23, $3  }
0x281: {  	_ =	sdelay $0x1  }
0x282: {  	s1 =	smov.u32 s0  }
0x283: {  	v25 =	vmov v6;
	v28 =	vmov v4;
	s3 =	smov.u32 s19;
	v35 =	vmov v8;
	s9 =	smov.u32 s7;
	s22 =	smov.u32 s4  }
.LBB2_22:
.Ltmp24:
0x284: {  	(pc) =	sbr.rel .LBB2_27-.Ltmp24, $4  }
0x285: {  	_ = 	snop  }
0x286: {  	v35 =	vmovc v5;
	v22 =	vmov v13;
	v32 =	vmov v12;
	v34 =	vmov v17  }
0x287: {  	v7 =	vmovc v23;
	v23 =	vmovc v6;
	v25 =	vmov v11;
	v14 =	vmov v8;
	v24 =	vmov v16  }
0x288: {  	s3 =	smov.u32 s0;
	s11 =	smov.u32 s19;
	s9 =	smov.u32 s4;
	v31 =	vmovc v4;
	v28 =	vmovc v15;
	v5 =	vmov v29;
	v27 =	vmov v10;
	v30 =	vmov v9  }
.LBB2_24:
.Ltmp25:
0x289: {  	(pc) =	sbr.rel .LBB2_27-.Ltmp25, $3  }
0x28a: {  	_ =	sdelay $0x1  }
0x28b: {  	s3 =	smov.u32 s1;
	s9 =	smov.u32 s22;
	s11 =	smov.u32 s0  }
0x28c: {  	v35 =	vmov v29;
	s1 =	smov.u32 s8;
	v23 =	vmov v11;
	s13 =	smov.u32 s19;
	v31 =	vmov v15;
	s22 =	smov.u32 s7  }
.LBB2_30:
0x28d: {  	_ =	sfence.sel $0x180000  }
0x28e: {  	[bflag:$0x0] =	sbarrier.arrive $0xFFFF  }
0x28f: {  	_ =	strace $0x90000047  }
0x290: {  	s0 =	stileid.u32;
	[bflag:$0x2] =	sbarrier.arrive $0xFFFF  }
0x291: {  	p0 =	sne.s32 s0, $0x0;
	s0 =	rddreg [dreg:$0x3]  }
0x292: {  	s0 =	sadd.s32 @!p0 $0x100000, s0  }
0x293: {  	[sflag:s0] =	ssyncadd.tile.s32 @!p0 $0x1;
	_ =	shalt  }
.Lfunc_end2:
_tile_overlayer_lowered:
.L_overlay_start_2:
0x294: {  	(tag) =	ssettag $0x2  }
0x295: {  	s0 =	rddreg [dreg:$0x0];
	s2 =	stileid.u32  }
0x296: {  	s1 =	rddreg [dreg:$0x1];
	p0 =	sne.s32 s2, $0x0  }
0x297: {  	s3 =	rddreg [dreg:$0x2];
	[bflag:$0x3] =	sbarrier.arrive $0xFFFF;
	s2 =	simm.s32 @!p0 $0x1C02  }
0x298: {  	[timem:s3], [sflag:s2] =	dma.local @!p0 [hbm:s0], s1  }
0x299: {  	s0 =	simm.s32 @!p0 $0x2  }
0x29a: {  	_ =	swait.ge @!p0 [sflag:s0], s1  }
0x29b: {  	s1 =	ssub.s32 @!p0 $0x0, s1;
	[sflag:s0] =	ssyncset.done @!p0 $0x0  }
0x29c: {  	[sflag:s0] =	ssyncadd.s32 @!p0 s1  }
0x29d: {  	[bflag:$0x3] =	sbarrier.arrive $0xFFFF  }
0x29e: {  	_ =	shalt  }

</sc_bundles>
